<compile_context>
chip_gen: v7x
topology: tpu7x:2x2x1
jax: 0.10.2.dev20260603
libtpu: 0.0.44.dev20260713+nightly
codegen_flags: <defaults>
</compile_context>

<pallas_src>
import functools

import jax
import jax.numpy as jnp
from jax import lax
from jax.experimental import pallas as pl
from jax.experimental.pallas import tpu as pltpu
from jax.experimental.pallas import tpu_sc as plsc

E = 8
D = 768
H = 2048
T = 2048
COEF = 0.01

BT = 256
NB = T // BT
MAX_BLOCKS = NB + E - 1
NPAD = MAX_BLOCKS * BT

RB = 512
NRB = T // RB

NW = 32
CH = T // NW



def _route_body(x_ref, gw_ref, gb_ref, choice_ref, rank_ref, offp_ref,
                be_ref, act_ref, loss_ref, carry):
    i = pl.program_id(0)

    @pl.when(i == 0)
    def _():
        carry[...] = jnp.zeros_like(carry)

    xb = x_ref[...]
    logitsT = lax.dot_general(
        gw_ref[...], xb, (((0,), (1,)), ((), ())),
        preferred_element_type=jnp.float32) + gb_ref[...]
    m = jnp.max(logitsT, axis=0, keepdims=True)
    ex = jnp.exp(logitsT - m)
    probs = ex / jnp.sum(ex, axis=0, keepdims=True)
    rowe = lax.broadcasted_iota(jnp.int32, (E, RB), 0)
    pmax = jnp.max(probs, axis=0, keepdims=True)
    choice = jnp.min(jnp.where(probs == pmax, rowe, E), axis=0)
    onehotT = (rowe == choice[None, :]).astype(jnp.float32)

    row_i = lax.broadcasted_iota(jnp.int32, (RB, RB), 0)
    col_i = lax.broadcasted_iota(jnp.int32, (RB, RB), 1)
    triu = (row_i < col_i).astype(jnp.float32)
    prev = carry[...]
    ranks_allT = jnp.dot(onehotT, triu,
                         preferred_element_type=jnp.float32) + prev
    rank = jnp.sum(onehotT * ranks_allT, axis=0)

    choice_ref[...] = choice
    rank_ref[...] = rank.astype(jnp.int32)

    counts = prev + jnp.sum(onehotT, axis=1, keepdims=True)
    carry[...] = counts

    @pl.when(i == NRB - 1)
    def _():
        p = counts / float(T)
        loss_ref[...] = (-jnp.sum(p * jnp.log(p + 1e-10))
                         * COEF).reshape(1, 1)
        padded = jnp.floor((counts + (BT - 1)) / BT) * BT
        ce = lax.broadcasted_iota(jnp.int32, (E, E), 0)
        ee = lax.broadcasted_iota(jnp.int32, (E, E), 1)
        lexcl = (ce < ee).astype(jnp.float32)
        lincl = (ce <= ee).astype(jnp.float32)
        off_l = lax.dot_general(padded, lexcl, (((0,), (0,)), ((), ())),
                                preferred_element_type=jnp.float32)
        offp_ref[...] = jnp.concatenate(
            [off_l, jnp.zeros((1, 16 - E), jnp.float32)],
            axis=1).astype(jnp.int32)
        starts = (lax.broadcasted_iota(jnp.int32, (1, 16), 1)
                  .astype(jnp.float32) * float(BT))
        endsT = lax.dot_general(
            lincl, padded, (((0,), (0,)), ((), ())),
            preferred_element_type=jnp.float32)
        cmp = (endsT <= starts).astype(jnp.float32)
        be = jnp.minimum(jnp.sum(cmp, axis=0, keepdims=True),
                         float(E - 1))
        be_ref[...] = be.astype(jnp.int32)
        total = jnp.sum(padded)
        act_ref[...] = (starts < total).astype(jnp.int32)


_route = pl.pallas_call(
    _route_body,
    grid=(NRB,),
    in_specs=[
        pl.BlockSpec((RB, D), lambda i: (i, 0)),
        pl.BlockSpec((D, E), lambda i: (0, 0)),
        pl.BlockSpec((E, 1), lambda i: (0, 0)),
    ],
    out_specs=[
        pl.BlockSpec((RB,), lambda i: (i,)),
        pl.BlockSpec((RB,), lambda i: (i,)),
        pl.BlockSpec((1, 16), lambda i: (0, 0)),
        pl.BlockSpec((1, 16), lambda i: (0, 0)),
        pl.BlockSpec((1, 16), lambda i: (0, 0)),
        pl.BlockSpec((1, 1), lambda i: (0, 0)),
    ],
    out_shape=[
        jax.ShapeDtypeStruct((T,), jnp.int32),
        jax.ShapeDtypeStruct((T,), jnp.int32),
        jax.ShapeDtypeStruct((1, 16), jnp.int32),
        jax.ShapeDtypeStruct((1, 16), jnp.int32),
        jax.ShapeDtypeStruct((1, 16), jnp.int32),
        jax.ShapeDtypeStruct((1, 1), jnp.float32),
    ],
    scratch_shapes=[pltpu.VMEM((E, 1), jnp.float32)],
)



@functools.cache
def _build_scatter_sc():
    mesh = plsc.VectorSubcoreMesh(core_axis_name="c", subcore_axis_name="s")

    @functools.partial(
        pl.kernel,
        out_type=[
            jax.ShapeDtypeStruct((NPAD, D), jnp.float32),
            jax.ShapeDtypeStruct((T,), jnp.int32),
        ],
        mesh=mesh,
        scratch_types=[
            pltpu.VMEM((CH,), jnp.int32),
            pltpu.VMEM((CH,), jnp.int32),
            pltpu.VMEM((CH,), jnp.int32),
            pltpu.VMEM((16,), jnp.int32),
            pltpu.VMEM((CH, D), jnp.float32),
            pltpu.SemaphoreType.DMA,
        ],
        compiler_params=pltpu.CompilerParams(needs_layout_passes=False),
    )
    def _scatter_sc(x_hbm, choice_hbm, rank_hbm, offp_hbm, xs_hbm, dest_hbm,
                    choice_v, rank_v, dest_v, offp_v, rows_v, sem):
        wid = lax.axis_index("s") * 2 + lax.axis_index("c")
        base = wid * CH
        xcopy = pltpu.async_copy(x_hbm.at[pl.ds(base, CH)], rows_v, sem)
        pltpu.sync_copy(choice_hbm.at[pl.ds(base, CH)], choice_v)
        pltpu.sync_copy(rank_hbm.at[pl.ds(base, CH)], rank_v)
        pltpu.sync_copy(offp_hbm, offp_v)
        for j in range(CH // 16):
            c16 = choice_v[pl.ds(j * 16, 16)]
            r16 = rank_v[pl.ds(j * 16, 16)]
            o16 = plsc.load_gather(offp_v, [c16])
            dest_v[pl.ds(j * 16, 16)] = o16 + r16
        pltpu.sync_copy(dest_v, dest_hbm.at[pl.ds(base, CH)])
        xcopy.wait()
        pltpu.async_copy(rows_v, xs_hbm.at[dest_v], sem).wait()

    return _scatter_sc



def _ffn_body(be_ref, act_ref, x_ref, w1_ref, b1_ref, w2_ref, b2_ref,
              out_ref):
    i = pl.program_id(0)

    @pl.when(act_ref[i] == 1)
    def _():
        xb = x_ref[...]
        a = jnp.dot(xb, w1_ref[0],
                    preferred_element_type=jnp.float32) + b1_ref[0]
        a = jnp.maximum(a, 0.0)
        out_ref[...] = jnp.dot(a, w2_ref[0],
                               preferred_element_type=jnp.float32) + b2_ref[0]


_ffn = pl.pallas_call(
    _ffn_body,
    grid_spec=pltpu.PrefetchScalarGridSpec(
        num_scalar_prefetch=2,
        grid=(MAX_BLOCKS,),
        in_specs=[
            pl.BlockSpec((BT, D), lambda i, be, act: (i * act[i], 0)),
            pl.BlockSpec((1, D, H), lambda i, be, act: (be[i], 0, 0)),
            pl.BlockSpec((1, 1, H), lambda i, be, act: (be[i], 0, 0)),
            pl.BlockSpec((1, H, D), lambda i, be, act: (be[i], 0, 0)),
            pl.BlockSpec((1, 1, D), lambda i, be, act: (be[i], 0, 0)),
        ],
        out_specs=pl.BlockSpec((BT, D), lambda i, be, act: (i, 0)),
    ),
    out_shape=jax.ShapeDtypeStruct((NPAD, D), jnp.float32),
    compiler_params=pltpu.CompilerParams(
        dimension_semantics=("arbitrary",),
        vmem_limit_bytes=100 * 1024 * 1024),
)



@functools.cache
def _build_gather_sc():
    mesh = plsc.VectorSubcoreMesh(core_axis_name="c", subcore_axis_name="s")

    @functools.partial(
        pl.kernel,
        out_type=jax.ShapeDtypeStruct((T, D), jnp.float32),
        mesh=mesh,
        scratch_types=[
            pltpu.VMEM((CH,), jnp.int32),
            pltpu.VMEM((CH, D), jnp.float32),
            pltpu.SemaphoreType.DMA,
        ],
        compiler_params=pltpu.CompilerParams(needs_layout_passes=False),
    )
    def _gather_sc(ys_hbm, dest_hbm, out_hbm, dest_v, rows_v, sem):
        wid = lax.axis_index("s") * 2 + lax.axis_index("c")
        base = wid * CH
        pltpu.sync_copy(dest_hbm.at[pl.ds(base, CH)], dest_v)
        pltpu.async_copy(ys_hbm.at[dest_v], rows_v, sem).wait()
        pltpu.sync_copy(rows_v, out_hbm.at[pl.ds(base, CH)])

    return _gather_sc



def _proj_body(y_ref, pw_ref, pb_ref, out_ref):
    out_ref[...] = jnp.dot(y_ref[...], pw_ref[...],
                           preferred_element_type=jnp.float32) + pb_ref[...]


_PB = 1024

_proj = pl.pallas_call(
    _proj_body,
    grid=(T // _PB,),
    in_specs=[
        pl.BlockSpec((_PB, D), lambda i: (i, 0)),
        pl.BlockSpec((D, D), lambda i: (0, 0)),
        pl.BlockSpec((1, D), lambda i: (0, 0)),
    ],
    out_specs=pl.BlockSpec((_PB, D), lambda i: (i, 0)),
    out_shape=jax.ShapeDtypeStruct((T, D), jnp.float32),
)



def kernel(x, gate_W, gate_b, W1, b1, W2, b2, proj_W, proj_b):
    bs, seq_len, d_model = x.shape
    x2 = x.reshape(T, D)

    choice, rank, offp16, be16, act16, loss11 = _route(
        x2, gate_W, gate_b.reshape(E, 1))

    xs, dest = _build_scatter_sc()(x2, choice, rank, offp16.reshape(16))
    ys = _ffn(be16.reshape(16), act16.reshape(16), xs, W1,
              b1.reshape(E, 1, H), W2, b2.reshape(E, 1, D))
    ysel = _build_gather_sc()(ys, dest)
    out = _proj(ysel, proj_W, proj_b.reshape(1, D))
    return out.reshape(bs, seq_len, d_model), loss11.reshape(())

# --- scband reference (transcript-rebuilt; emitter-appended) ---
"""Pipeline reference for scband-expert-layer-5849745457476 (READ-ONLY COPY).

The authoritative reference and input builder live on the scoring server;
editing this copy changes nothing except your own understanding.
"""

import jax, jax.numpy as jnp
import numpy as np

E = 8
D = 768
H = 2048
B = 1
S = 2048
COEF = 0.01


def setup_inputs(seed: int = 0) -> dict:
    key = jax.random.key(seed)
    ks = jax.random.split(key, 10)
    sd = 1.0 / np.sqrt(D)
    sh = 1.0 / np.sqrt(H)
    return {
        "x": jax.random.normal(ks[0], (B, S, D), dtype=jnp.float32),
        "gate_W": jax.random.uniform(ks[1], (D, E), jnp.float32, -sd, sd),
        "gate_b": jax.random.uniform(ks[2], (E,), jnp.float32, -sd, sd),
        "W1": jax.random.uniform(ks[3], (E, D, H), jnp.float32, -sd, sd),
        "b1": jax.random.uniform(ks[4], (E, H), jnp.float32, -sd, sd),
        "W2": jax.random.uniform(ks[5], (E, H, D), jnp.float32, -sh, sh),
        "b2": jax.random.uniform(ks[6], (E, D), jnp.float32, -sh, sh),
        "proj_W": jax.random.uniform(ks[7], (D, D), jnp.float32, -sd, sd),
        "proj_b": jax.random.uniform(ks[8], (D,), jnp.float32, -sd, sd),
    }


def reference(x, gate_W, gate_b, W1, b1, W2, b2, proj_W, proj_b):
    bs, seq_len, d_model = x.shape
    flat_x = x.reshape(-1, d_model)
    T = flat_x.shape[0]
    gate_logits = flat_x @ gate_W + gate_b
    routing_weights = jax.nn.softmax(gate_logits, axis=-1)
    expert_choice = jnp.argmax(routing_weights, axis=-1)
    expert_mask = jax.nn.one_hot(expert_choice, E, dtype=jnp.float32)
    expert_counts = expert_mask.sum(axis=0)
    expert_probs = expert_counts / (bs * seq_len)
    balance_loss = -jnp.sum(expert_probs * jnp.log(expert_probs + 1e-10)) * COEF
    # dense per-expert FFN over all tokens (matches torch loop over experts)
    h = jax.nn.relu(jnp.einsum('td,edh->eth', flat_x, W1) + b1[:, None, :])
    expert_outputs = jnp.einsum('eth,ehd->etd', h, W2) + b2[:, None, :]
    expert_outputs = jnp.transpose(expert_outputs, (1, 0, 2))  # [T, E, d]
    selected = jnp.take_along_axis(expert_outputs, expert_choice[:, None, None], axis=1)[:, 0, :]
    projected = selected @ proj_W + proj_b
    # dropout is identity in eval/deterministic mode
    return projected.reshape(bs, seq_len, d_model), balance_loss

if __name__ == "__main__":
    import jax
    _d = setup_inputs()
    print(jax.jit(kernel)(*tuple(_d.values())))

</pallas_src>

<mosaic_0001>
#map = affine_map<(d0, d1) -> (0, 0)>
#map1 = affine_map<(d0, d1) -> (0)>
module attributes {stable_mosaic.version = 14 : i64} {
  func.func @_gather_sc(%arg0: i32, %arg1: i32, %arg2: memref<3840x768xf32, #tpu.memory_space<hbm>>, %arg3: memref<2048xi32, #tpu.memory_space<hbm>>, %arg4: memref<2048x768xf32, #tpu.memory_space<hbm>>, %arg5: memref<64xi32, #tpu.memory_space<vmem>>, %arg6: memref<64x768xf32, #tpu.memory_space<vmem>>, %arg7: memref<!tpu.dma_semaphore, #tpu.memory_space<semaphore_mem>>) attributes {dimension_semantics = [#tpu.dimension_semantics<core_parallel>, #tpu.dimension_semantics<subcore_parallel>], iteration_bounds = array<i64: 2, 16>, scalar_prefetch = 0 : i64, scratch_operands = 3 : i64, tpu.core_type = #tpu.core_type<sc_vector_subcore>, window_params = [{transform_indices = #map}, {transform_indices = #map1}, {transform_indices = #map}]} {
    %mul3A = arith.constant 2 : i32
    %mul3A_0 = arith.muli %arg1, %mul3A : i32
    %add3A = arith.addi %mul3A_0, %arg0 : i32
    %mul3A_1 = arith.constant 64 : i32
    %mul3A_2 = arith.muli %add3A, %mul3A_1 : i32
    "tpu.region"() ({
      %run_scoped3A = tpu.sem_alloc : memref<!tpu.dma_semaphore, #tpu.memory_space<semaphore_mem>>
      %dma_start3A_7 = tpu.memref_slice %arg3[%mul3A_2] : memref<2048xi32, #tpu.memory_space<hbm>> -> memref<64xi32, #tpu.memory_space<hbm>>
      %dma_start3A_8 = tpu.memref_slice %arg3[%mul3A_2] : memref<2048xi32, #tpu.memory_space<hbm>> -> memref<64xi32, #tpu.memory_space<hbm>>
      tpu.enqueue_dma source(%dma_start3A_8 : memref<64xi32, #tpu.memory_space<hbm>>) target(%arg5 : memref<64xi32, #tpu.memory_space<vmem>>) target_semaphore(%run_scoped3A : memref<!tpu.dma_semaphore, #tpu.memory_space<semaphore_mem>>)
      %dma_wait3A_9 = tpu.memref_slice %arg3[%mul3A_2] : memref<2048xi32, #tpu.memory_space<hbm>> -> memref<64xi32, #tpu.memory_space<hbm>>
      %dma_wait3A_10 = tpu.memref_slice %arg3[%mul3A_2] : memref<2048xi32, #tpu.memory_space<hbm>> -> memref<64xi32, #tpu.memory_space<hbm>>
      tpu.wait_dma2 semaphore(%run_scoped3A : memref<!tpu.dma_semaphore, #tpu.memory_space<semaphore_mem>>) src(%dma_wait3A_10 : memref<64xi32, #tpu.memory_space<hbm>>) dst(%arg5 : memref<64xi32, #tpu.memory_space<vmem>>)
      tpu.yield
    }) : () -> ()
    %dma_start3A = arith.constant 0 : i32
    %dma_start3A_3 = arith.constant 0 : i32
    %dma_start3A_4 = tpu.memref_slice %arg2[%dma_start3A, %dma_start3A_3] : memref<3840x768xf32, #tpu.memory_space<hbm>> -> memref<3840x768xf32, #tpu.memory_space<hbm>>
    tpu.enqueue_indirect_dma source(%dma_start3A_4 : memref<3840x768xf32, #tpu.memory_space<hbm>>) target(%arg6 : memref<64x768xf32, #tpu.memory_space<vmem>>) offsets(%arg5 : memref<64xi32, #tpu.memory_space<vmem>>) semaphore(%arg7 : memref<!tpu.dma_semaphore, #tpu.memory_space<semaphore_mem>>)
    %dma_wait3A = arith.constant 0 : i32
    %dma_wait3A_5 = arith.constant 0 : i32
    %dma_wait3A_6 = tpu.memref_slice %arg2[%dma_wait3A, %dma_wait3A_5] : memref<3840x768xf32, #tpu.memory_space<hbm>> -> memref<3840x768xf32, #tpu.memory_space<hbm>>
    tpu.wait_indirect_dma semaphore(%arg7 : memref<!tpu.dma_semaphore, #tpu.memory_space<semaphore_mem>>) src(%dma_wait3A_6 : memref<3840x768xf32, #tpu.memory_space<hbm>>) dst(%arg6 : memref<64x768xf32, #tpu.memory_space<vmem>>)
    "tpu.region"() ({
      %run_scoped3A = tpu.sem_alloc : memref<!tpu.dma_semaphore, #tpu.memory_space<semaphore_mem>>
      %dma_start3A_7 = arith.constant 0 : i32
      %dma_start3A_8 = tpu.memref_slice %arg4[%mul3A_2, %dma_start3A_7] : memref<2048x768xf32, #tpu.memory_space<hbm>> -> memref<64x768xf32, #tpu.memory_space<hbm>>
      %dma_start3A_9 = arith.constant 0 : i32
      %dma_start3A_10 = tpu.memref_slice %arg4[%mul3A_2, %dma_start3A_9] : memref<2048x768xf32, #tpu.memory_space<hbm>> -> memref<64x768xf32, #tpu.memory_space<hbm>>
      tpu.enqueue_dma source(%arg6 : memref<64x768xf32, #tpu.memory_space<vmem>>) target(%dma_start3A_10 : memref<64x768xf32, #tpu.memory_space<hbm>>) target_semaphore(%run_scoped3A : memref<!tpu.dma_semaphore, #tpu.memory_space<semaphore_mem>>)
      %dma_wait3A_11 = arith.constant 0 : i32
      %dma_wait3A_12 = tpu.memref_slice %arg4[%mul3A_2, %dma_wait3A_11] : memref<2048x768xf32, #tpu.memory_space<hbm>> -> memref<64x768xf32, #tpu.memory_space<hbm>>
      %dma_wait3A_13 = arith.constant 0 : i32
      %dma_wait3A_14 = tpu.memref_slice %arg4[%mul3A_2, %dma_wait3A_13] : memref<2048x768xf32, #tpu.memory_space<hbm>> -> memref<64x768xf32, #tpu.memory_space<hbm>>
      tpu.wait_dma2 semaphore(%run_scoped3A : memref<!tpu.dma_semaphore, #tpu.memory_space<semaphore_mem>>) src(%arg6 : memref<64x768xf32, #tpu.memory_space<vmem>>) dst(%dma_wait3A_14 : memref<64x768xf32, #tpu.memory_space<hbm>>)
      tpu.yield
    }) : () -> ()
    return
  }
}

#map = affine_map<(d0, d1) -> (0, 0)>
#map1 = affine_map<(d0, d1) -> (0)>
module attributes {stable_mosaic.version = 14 : i64} {
  func.func @_scatter_sc(%arg0: i32, %arg1: i32, %arg2: memref<2048x768xf32, #tpu.memory_space<hbm>>, %arg3: memref<2048xi32, #tpu.memory_space<hbm>>, %arg4: memref<2048xi32, #tpu.memory_space<hbm>>, %arg5: memref<16xi32, #tpu.memory_space<hbm>>, %arg6: memref<3840x768xf32, #tpu.memory_space<hbm>>, %arg7: memref<2048xi32, #tpu.memory_space<hbm>>, %arg8: memref<64xi32, #tpu.memory_space<vmem>>, %arg9: memref<64xi32, #tpu.memory_space<vmem>>, %arg10: memref<64xi32, #tpu.memory_space<vmem>>, %arg11: memref<16xi32, #tpu.memory_space<vmem>>, %arg12: memref<64x768xf32, #tpu.memory_space<vmem>>, %arg13: memref<!tpu.dma_semaphore, #tpu.memory_space<semaphore_mem>>) attributes {dimension_semantics = [#tpu.dimension_semantics<core_parallel>, #tpu.dimension_semantics<subcore_parallel>], iteration_bounds = array<i64: 2, 16>, scalar_prefetch = 0 : i64, scratch_operands = 6 : i64, tpu.core_type = #tpu.core_type<sc_vector_subcore>, window_params = [{transform_indices = #map}, {transform_indices = #map1}, {transform_indices = #map1}, {transform_indices = #map1}, {transform_indices = #map}, {transform_indices = #map1}]} {
    %mul3A = arith.constant 2 : i32
    %mul3A_0 = arith.muli %arg1, %mul3A : i32
    %add3A = arith.addi %mul3A_0, %arg0 : i32
    %mul3A_1 = arith.constant 64 : i32
    %mul3A_2 = arith.muli %add3A, %mul3A_1 : i32
    %dma_start3A = arith.constant 0 : i32
    %dma_start3A_3 = tpu.memref_slice %arg2[%mul3A_2, %dma_start3A] : memref<2048x768xf32, #tpu.memory_space<hbm>> -> memref<64x768xf32, #tpu.memory_space<hbm>>
    %dma_start3A_4 = arith.constant 0 : i32
    %dma_start3A_5 = tpu.memref_slice %arg2[%mul3A_2, %dma_start3A_4] : memref<2048x768xf32, #tpu.memory_space<hbm>> -> memref<64x768xf32, #tpu.memory_space<hbm>>
    tpu.enqueue_dma source(%dma_start3A_5 : memref<64x768xf32, #tpu.memory_space<hbm>>) target(%arg12 : memref<64x768xf32, #tpu.memory_space<vmem>>) target_semaphore(%arg13 : memref<!tpu.dma_semaphore, #tpu.memory_space<semaphore_mem>>)
    "tpu.region"() ({
      %run_scoped3A = tpu.sem_alloc : memref<!tpu.dma_semaphore, #tpu.memory_space<semaphore_mem>>
      %dma_start3A_44 = tpu.memref_slice %arg3[%mul3A_2] : memref<2048xi32, #tpu.memory_space<hbm>> -> memref<64xi32, #tpu.memory_space<hbm>>
      %dma_start3A_45 = tpu.memref_slice %arg3[%mul3A_2] : memref<2048xi32, #tpu.memory_space<hbm>> -> memref<64xi32, #tpu.memory_space<hbm>>
      tpu.enqueue_dma source(%dma_start3A_45 : memref<64xi32, #tpu.memory_space<hbm>>) target(%arg8 : memref<64xi32, #tpu.memory_space<vmem>>) target_semaphore(%run_scoped3A : memref<!tpu.dma_semaphore, #tpu.memory_space<semaphore_mem>>)
      %dma_wait3A_46 = tpu.memref_slice %arg3[%mul3A_2] : memref<2048xi32, #tpu.memory_space<hbm>> -> memref<64xi32, #tpu.memory_space<hbm>>
      %dma_wait3A_47 = tpu.memref_slice %arg3[%mul3A_2] : memref<2048xi32, #tpu.memory_space<hbm>> -> memref<64xi32, #tpu.memory_space<hbm>>
      tpu.wait_dma2 semaphore(%run_scoped3A : memref<!tpu.dma_semaphore, #tpu.memory_space<semaphore_mem>>) src(%dma_wait3A_47 : memref<64xi32, #tpu.memory_space<hbm>>) dst(%arg8 : memref<64xi32, #tpu.memory_space<vmem>>)
      tpu.yield
    }) : () -> ()
    "tpu.region"() ({
      %run_scoped3A = tpu.sem_alloc : memref<!tpu.dma_semaphore, #tpu.memory_space<semaphore_mem>>
      %dma_start3A_44 = tpu.memref_slice %arg4[%mul3A_2] : memref<2048xi32, #tpu.memory_space<hbm>> -> memref<64xi32, #tpu.memory_space<hbm>>
      %dma_start3A_45 = tpu.memref_slice %arg4[%mul3A_2] : memref<2048xi32, #tpu.memory_space<hbm>> -> memref<64xi32, #tpu.memory_space<hbm>>
      tpu.enqueue_dma source(%dma_start3A_45 : memref<64xi32, #tpu.memory_space<hbm>>) target(%arg9 : memref<64xi32, #tpu.memory_space<vmem>>) target_semaphore(%run_scoped3A : memref<!tpu.dma_semaphore, #tpu.memory_space<semaphore_mem>>)
      %dma_wait3A_46 = tpu.memref_slice %arg4[%mul3A_2] : memref<2048xi32, #tpu.memory_space<hbm>> -> memref<64xi32, #tpu.memory_space<hbm>>
      %dma_wait3A_47 = tpu.memref_slice %arg4[%mul3A_2] : memref<2048xi32, #tpu.memory_space<hbm>> -> memref<64xi32, #tpu.memory_space<hbm>>
      tpu.wait_dma2 semaphore(%run_scoped3A : memref<!tpu.dma_semaphore, #tpu.memory_space<semaphore_mem>>) src(%dma_wait3A_47 : memref<64xi32, #tpu.memory_space<hbm>>) dst(%arg9 : memref<64xi32, #tpu.memory_space<vmem>>)
      tpu.yield
    }) : () -> ()
    "tpu.region"() ({
      %run_scoped3A = tpu.sem_alloc : memref<!tpu.dma_semaphore, #tpu.memory_space<semaphore_mem>>
      tpu.enqueue_dma source(%arg5 : memref<16xi32, #tpu.memory_space<hbm>>) target(%arg11 : memref<16xi32, #tpu.memory_space<vmem>>) target_semaphore(%run_scoped3A : memref<!tpu.dma_semaphore, #tpu.memory_space<semaphore_mem>>)
      tpu.wait_dma2 semaphore(%run_scoped3A : memref<!tpu.dma_semaphore, #tpu.memory_space<semaphore_mem>>) src(%arg5 : memref<16xi32, #tpu.memory_space<hbm>>) dst(%arg11 : memref<16xi32, #tpu.memory_space<vmem>>)
      tpu.yield
    }) : () -> ()
    %get3A = arith.constant 0 : index
    %get3A_6 = tpu.vector_load %arg8[%get3A] {strides = array<i32>} : memref<64xi32, #tpu.memory_space<vmem>>, vector<16xi32>,
    %get3A_7 = arith.constant 0 : index
    %get3A_8 = tpu.vector_load %arg9[%get3A_7] {strides = array<i32>} : memref<64xi32, #tpu.memory_space<vmem>>, vector<16xi32>,
    %gather3A = tpu.vector_load_idx %arg11[%get3A_6] : memref<16xi32, #tpu.memory_space<vmem>>[vector<16xi32>], vector<16xi32>,
    %add3A_9 = arith.addi %gather3A, %get3A_8 : vector<16xi32>
    %swap3A = arith.constant 0 : index
    %swap3A_10 = tpu.vector_load %arg10[%swap3A] {strides = array<i32>} : memref<64xi32, #tpu.memory_space<vmem>>, vector<16xi32>,
    tpu.vector_store %arg10[%swap3A], %add3A_9 {strides = array<i32>} : memref<64xi32, #tpu.memory_space<vmem>>, vector<16xi32>,
    %get3A_11 = arith.constant 16 : index
    %get3A_12 = tpu.vector_load %arg8[%get3A_11] {strides = array<i32>} : memref<64xi32, #tpu.memory_space<vmem>>, vector<16xi32>,
    %get3A_13 = arith.constant 16 : index
    %get3A_14 = tpu.vector_load %arg9[%get3A_13] {strides = array<i32>} : memref<64xi32, #tpu.memory_space<vmem>>, vector<16xi32>,
    %gather3A_15 = tpu.vector_load_idx %arg11[%get3A_12] : memref<16xi32, #tpu.memory_space<vmem>>[vector<16xi32>], vector<16xi32>,
    %add3A_16 = arith.addi %gather3A_15, %get3A_14 : vector<16xi32>
    %swap3A_17 = arith.constant 16 : index
    %swap3A_18 = tpu.vector_load %arg10[%swap3A_17] {strides = array<i32>} : memref<64xi32, #tpu.memory_space<vmem>>, vector<16xi32>,
    tpu.vector_store %arg10[%swap3A_17], %add3A_16 {strides = array<i32>} : memref<64xi32, #tpu.memory_space<vmem>>, vector<16xi32>,
    %get3A_19 = arith.constant 32 : index
    %get3A_20 = tpu.vector_load %arg8[%get3A_19] {strides = array<i32>} : memref<64xi32, #tpu.memory_space<vmem>>, vector<16xi32>,
    %get3A_21 = arith.constant 32 : index
    %get3A_22 = tpu.vector_load %arg9[%get3A_21] {strides = array<i32>} : memref<64xi32, #tpu.memory_space<vmem>>, vector<16xi32>,
    %gather3A_23 = tpu.vector_load_idx %arg11[%get3A_20] : memref<16xi32, #tpu.memory_space<vmem>>[vector<16xi32>], vector<16xi32>,
    %add3A_24 = arith.addi %gather3A_23, %get3A_22 : vector<16xi32>
    %swap3A_25 = arith.constant 32 : index
    %swap3A_26 = tpu.vector_load %arg10[%swap3A_25] {strides = array<i32>} : memref<64xi32, #tpu.memory_space<vmem>>, vector<16xi32>,
    tpu.vector_store %arg10[%swap3A_25], %add3A_24 {strides = array<i32>} : memref<64xi32, #tpu.memory_space<vmem>>, vector<16xi32>,
    %get3A_27 = arith.constant 48 : index
    %get3A_28 = tpu.vector_load %arg8[%get3A_27] {strides = array<i32>} : memref<64xi32, #tpu.memory_space<vmem>>, vector<16xi32>,
    %get3A_29 = arith.constant 48 : index
    %get3A_30 = tpu.vector_load %arg9[%get3A_29] {strides = array<i32>} : memref<64xi32, #tpu.memory_space<vmem>>, vector<16xi32>,
    %gather3A_31 = tpu.vector_load_idx %arg11[%get3A_28] : memref<16xi32, #tpu.memory_space<vmem>>[vector<16xi32>], vector<16xi32>,
    %add3A_32 = arith.addi %gather3A_31, %get3A_30 : vector<16xi32>
    %swap3A_33 = arith.constant 48 : index
    %swap3A_34 = tpu.vector_load %arg10[%swap3A_33] {strides = array<i32>} : memref<64xi32, #tpu.memory_space<vmem>>, vector<16xi32>,
    tpu.vector_store %arg10[%swap3A_33], %add3A_32 {strides = array<i32>} : memref<64xi32, #tpu.memory_space<vmem>>, vector<16xi32>,
    "tpu.region"() ({
      %run_scoped3A = tpu.sem_alloc : memref<!tpu.dma_semaphore, #tpu.memory_space<semaphore_mem>>
      %dma_start3A_44 = tpu.memref_slice %arg7[%mul3A_2] : memref<2048xi32, #tpu.memory_space<hbm>> -> memref<64xi32, #tpu.memory_space<hbm>>
      %dma_start3A_45 = tpu.memref_slice %arg7[%mul3A_2] : memref<2048xi32, #tpu.memory_space<hbm>> -> memref<64xi32, #tpu.memory_space<hbm>>
      tpu.enqueue_dma source(%arg10 : memref<64xi32, #tpu.memory_space<vmem>>) target(%dma_start3A_45 : memref<64xi32, #tpu.memory_space<hbm>>) target_semaphore(%run_scoped3A : memref<!tpu.dma_semaphore, #tpu.memory_space<semaphore_mem>>)
      %dma_wait3A_46 = tpu.memref_slice %arg7[%mul3A_2] : memref<2048xi32, #tpu.memory_space<hbm>> -> memref<64xi32, #tpu.memory_space<hbm>>
      %dma_wait3A_47 = tpu.memref_slice %arg7[%mul3A_2] : memref<2048xi32, #tpu.memory_space<hbm>> -> memref<64xi32, #tpu.memory_space<hbm>>
      tpu.wait_dma2 semaphore(%run_scoped3A : memref<!tpu.dma_semaphore, #tpu.memory_space<semaphore_mem>>) src(%arg10 : memref<64xi32, #tpu.memory_space<vmem>>) dst(%dma_wait3A_47 : memref<64xi32, #tpu.memory_space<hbm>>)
      tpu.yield
    }) : () -> ()
    %dma_wait3A = arith.constant 0 : i32
    %dma_wait3A_35 = tpu.memref_slice %arg2[%mul3A_2, %dma_wait3A] : memref<2048x768xf32, #tpu.memory_space<hbm>> -> memref<64x768xf32, #tpu.memory_space<hbm>>
    %dma_wait3A_36 = arith.constant 0 : i32
    %dma_wait3A_37 = tpu.memref_slice %arg2[%mul3A_2, %dma_wait3A_36] : memref<2048x768xf32, #tpu.memory_space<hbm>> -> memref<64x768xf32, #tpu.memory_space<hbm>>
    tpu.wait_dma2 semaphore(%arg13 : memref<!tpu.dma_semaphore, #tpu.memory_space<semaphore_mem>>) src(%dma_wait3A_37 : memref<64x768xf32, #tpu.memory_space<hbm>>) dst(%arg12 : memref<64x768xf32, #tpu.memory_space<vmem>>)
    %dma_start3A_38 = arith.constant 0 : i32
    %dma_start3A_39 = arith.constant 0 : i32
    %dma_start3A_40 = tpu.memref_slice %arg6[%dma_start3A_38, %dma_start3A_39] : memref<3840x768xf32, #tpu.memory_space<hbm>> -> memref<3840x768xf32, #tpu.memory_space<hbm>>
    tpu.enqueue_indirect_dma source(%arg12 : memref<64x768xf32, #tpu.memory_space<vmem>>) target(%dma_start3A_40 : memref<3840x768xf32, #tpu.memory_space<hbm>>) offsets(%arg10 : memref<64xi32, #tpu.memory_space<vmem>>) semaphore(%arg13 : memref<!tpu.dma_semaphore, #tpu.memory_space<semaphore_mem>>)
    %dma_wait3A_41 = arith.constant 0 : i32
    %dma_wait3A_42 = arith.constant 0 : i32
    %dma_wait3A_43 = tpu.memref_slice %arg6[%dma_wait3A_41, %dma_wait3A_42] : memref<3840x768xf32, #tpu.memory_space<hbm>> -> memref<3840x768xf32, #tpu.memory_space<hbm>>
    tpu.wait_indirect_dma semaphore(%arg13 : memref<!tpu.dma_semaphore, #tpu.memory_space<semaphore_mem>>) src(%arg12 : memref<64x768xf32, #tpu.memory_space<vmem>>) dst(%dma_wait3A_43 : memref<3840x768xf32, #tpu.memory_space<hbm>>)
    return
  }
}

module attributes {stable_mosaic.version = 14 : i64} {
  func.func @_route_body(%arg0: i32, %arg1: memref<512x768xf32, #tpu.memory_space<vmem>>, %arg2: memref<768x8xf32, #tpu.memory_space<vmem>>, %arg3: memref<8x1xf32, #tpu.memory_space<vmem>>, %arg4: memref<512xi32, #tpu.memory_space<vmem>>, %arg5: memref<512xi32, #tpu.memory_space<vmem>>, %arg6: memref<1x16xi32, #tpu.memory_space<vmem>>, %arg7: memref<1x16xi32, #tpu.memory_space<vmem>>, %arg8: memref<1x16xi32, #tpu.memory_space<vmem>>, %arg9: memref<1x1xf32, #tpu.memory_space<vmem>>, %arg10: memref<8x1xf32, #tpu.memory_space<vmem>>) attributes {dimension_semantics = [#tpu.dimension_semantics<arbitrary>], iteration_bounds = array<i64: 4>, scalar_prefetch = 0 : i64, scratch_operands = 1 : i64, tpu.core_type = #tpu.core_type<tc>, window_params = [{transform_indices = @transform_0, window_bounds = array<i64: 512, 768>}, {pipeline_mode = #tpu.pipeline_mode<synchronous>, transform_indices = @transform_1, window_bounds = array<i64: 768, 8>}, {pipeline_mode = #tpu.pipeline_mode<synchronous>, transform_indices = @transform_2, window_bounds = array<i64: 8, 1>}, {transform_indices = @transform_3, window_bounds = array<i64: 512>}, {transform_indices = @transform_4, window_bounds = array<i64: 512>}, {pipeline_mode = #tpu.pipeline_mode<synchronous>, transform_indices = @transform_5, window_bounds = array<i64: 1, 16>}, {pipeline_mode = #tpu.pipeline_mode<synchronous>, transform_indices = @transform_6, window_bounds = array<i64: 1, 16>}, {pipeline_mode = #tpu.pipeline_mode<synchronous>, transform_indices = @transform_7, window_bounds = array<i64: 1, 16>}, {pipeline_mode = #tpu.pipeline_mode<synchronous>, transform_indices = @transform_8, window_bounds = array<i64: 1, 1>}]} {
    %eq3A = arith.constant 0 : i32
    %eq3A_0 = arith.cmpi eq, %arg0, %eq3A : i32
    %convert_element_type3A = arith.extui %eq3A_0 : i1 to i32
    %cond3A = arith.constant 0 : i32
    %cond3A_1 = arith.cmpi ne, %convert_element_type3A, %cond3A : i32
    scf.if %cond3A_1 {
      %broadcast_in_dim3A_58 = arith.constant 0.000000e+00 : f32
      %broadcast_in_dim3A_59 = vector.broadcast %broadcast_in_dim3A_58 : f32 to vector<8x1xf32>
      %swap3A_60 = arith.constant 0 : index
      %swap3A_61 = arith.constant 0 : index
      %swap3A_62 = vector.load %arg10[%swap3A_60, %swap3A_61] : memref<8x1xf32, #tpu.memory_space<vmem>>, vector<8x1xf32>
      tpu.vector_store %arg10[%swap3A_60, %swap3A_61], %broadcast_in_dim3A_59 {strides = array<i32>} : memref<8x1xf32, #tpu.memory_space<vmem>>, vector<8x1xf32>,
    } else {
    }
    %get3A = arith.constant 0 : index
    %get3A_2 = arith.constant 0 : index
    %get3A_3 = vector.load %arg1[%get3A, %get3A_2] : memref<512x768xf32, #tpu.memory_space<vmem>>, vector<512x768xf32>
    %get3A_4 = arith.constant 0 : index
    %get3A_5 = arith.constant 0 : index
    %get3A_6 = vector.load %arg2[%get3A_4, %get3A_5] : memref<768x8xf32, #tpu.memory_space<vmem>>, vector<768x8xf32>
    %dot_general3A = arith.constant dense<0.000000e+00> : vector<8x512xf32>
    %dot_general3A_7 = tpu.matmul %get3A_6, %get3A_3, %dot_general3A {dimension_numbers = #tpu.dot_dimension_numbers<[0], [1], [1], [0], [0, 1, 1, 0], [], []>, transpose_lhs_hint = false} : vector<768x8xf32>, vector<512x768xf32>, vector<8x512xf32> -> vector<8x512xf32>
    %get3A_8 = arith.constant 0 : index
    %get3A_9 = arith.constant 0 : index
    %get3A_10 = vector.load %arg3[%get3A_8, %get3A_9] : memref<8x1xf32, #tpu.memory_space<vmem>>, vector<8x1xf32>
    %add3A = vector.broadcast %get3A_10 : vector<8x1xf32> to vector<8x512xf32>
    %add3A_11 = arith.addf %dot_general3A_7, %add3A : vector<8x512xf32>
    %reduce_max3A = arith.constant dense<0xFF800000> : vector<512xf32>
    %reduce_max3A_12 = vector.multi_reduction <maximumf>, %add3A_11, %reduce_max3A [0] : vector<8x512xf32> to vector<512xf32>
    %broadcast_in_dim3A = vector.shape_cast %reduce_max3A_12 : vector<512xf32> to vector<1x512xf32>
    %sub3A = vector.broadcast %broadcast_in_dim3A : vector<1x512xf32> to vector<8x512xf32>
    %sub3A_13 = arith.subf %add3A_11, %sub3A : vector<8x512xf32>
    %exp3A = math.exp %sub3A_13 : vector<8x512xf32>
    %reduce_sum3A = arith.constant dense<0.000000e+00> : vector<512xf32>
    %reduce_sum3A_14 = vector.multi_reduction <add>, %exp3A, %reduce_sum3A [0] : vector<8x512xf32> to vector<512xf32>
    %broadcast_in_dim3A_15 = vector.shape_cast %reduce_sum3A_14 : vector<512xf32> to vector<1x512xf32>
    %div3A = vector.broadcast %broadcast_in_dim3A_15 : vector<1x512xf32> to vector<8x512xf32>
    %div3A_16 = arith.divf %exp3A, %div3A : vector<8x512xf32>
    %iota3A = tpu.iota {dimensions = array<i32: 0>} : vector<8x512xi32>
    %reduce_max3A_17 = arith.constant dense<0xFF800000> : vector<512xf32>
    %reduce_max3A_18 = vector.multi_reduction <maximumf>, %div3A_16, %reduce_max3A_17 [0] : vector<8x512xf32> to vector<512xf32>
    %broadcast_in_dim3A_19 = vector.shape_cast %reduce_max3A_18 : vector<512xf32> to vector<1x512xf32>
    %eq3A_20 = vector.broadcast %broadcast_in_dim3A_19 : vector<1x512xf32> to vector<8x512xf32>
    %eq3A_21 = arith.cmpf oeq, %div3A_16, %eq3A_20 : vector<8x512xf32>
    %jit3A = arith.constant 8 : i32
    %broadcast_in_dim3A_22 = vector.broadcast %jit3A : i32 to vector<8x512xi32>
    %select_n3A = arith.select %eq3A_21, %iota3A, %broadcast_in_dim3A_22 : vector<8x512xi1>, vector<8x512xi32>
    %reduce_min3A = arith.constant dense<2147483647> : vector<512xi32>
    %reduce_min3A_23 = vector.multi_reduction <minsi>, %select_n3A, %reduce_min3A [0] : vector<8x512xi32> to vector<512xi32>
    %broadcast_in_dim3A_24 = vector.shape_cast %reduce_min3A_23 : vector<512xi32> to vector<1x512xi32>
    %eq3A_25 = vector.broadcast %broadcast_in_dim3A_24 : vector<1x512xi32> to vector<8x512xi32>
    %eq3A_26 = arith.cmpi eq, %iota3A, %eq3A_25 : vector<8x512xi32>
    %convert_element_type3A_27 = arith.extui %eq3A_26 : vector<8x512xi1> to vector<8x512xi32>
    %convert_element_type3A_28 = arith.sitofp %convert_element_type3A_27 : vector<8x512xi32> to vector<8x512xf32>
    %iota3A_29 = tpu.iota {dimensions = array<i32: 0>} : vector<512x512xi32>
    %iota3A_30 = tpu.iota {dimensions = array<i32: 1>} : vector<512x512xi32>
    %lt3A = arith.cmpi slt, %iota3A_29, %iota3A_30 : vector<512x512xi32>
    %convert_element_type3A_31 = arith.extui %lt3A : vector<512x512xi1> to vector<512x512xi32>
    %convert_element_type3A_32 = arith.sitofp %convert_element_type3A_31 : vector<512x512xi32> to vector<512x512xf32>
    %get3A_33 = arith.constant 0 : index
    %get3A_34 = arith.constant 0 : index
    %get3A_35 = vector.load %arg10[%get3A_33, %get3A_34] : memref<8x1xf32, #tpu.memory_space<vmem>>, vector<8x1xf32>
    %dot_general3A_36 = arith.constant dense<0.000000e+00> : vector<8x512xf32>
    %dot_general3A_37 = tpu.matmul %convert_element_type3A_28, %convert_element_type3A_32, %dot_general3A_36 {dimension_numbers = #tpu.dot_dimension_numbers<[1], [0], [0], [1], [0, 0, 1, 1], [], []>, transpose_lhs_hint = false} : vector<8x512xf32>, vector<512x512xf32>, vector<8x512xf32> -> vector<8x512xf32>
    %add3A_38 = vector.broadcast %get3A_35 : vector<8x1xf32> to vector<8x512xf32>
    %add3A_39 = arith.addf %dot_general3A_37, %add3A_38 : vector<8x512xf32>
    %mul3A = arith.mulf %convert_element_type3A_28, %add3A_39 : vector<8x512xf32>
    %reduce_sum3A_40 = arith.constant dense<0.000000e+00> : vector<512xf32>
    %reduce_sum3A_41 = vector.multi_reduction <add>, %mul3A, %reduce_sum3A_40 [0] : vector<8x512xf32> to vector<512xf32>
    %swap3A = arith.constant 0 : index
    %swap3A_42 = vector.load %arg4[%swap3A] : memref<512xi32, #tpu.memory_space<vmem>>, vector<512xi32>
    tpu.vector_store %arg4[%swap3A], %reduce_min3A_23 {strides = array<i32>} : memref<512xi32, #tpu.memory_space<vmem>>, vector<512xi32>,
    %convert_element_type3A_43 = arith.fptosi %reduce_sum3A_41 : vector<512xf32> to vector<512xi32>
    %swap3A_44 = arith.constant 0 : index
    %swap3A_45 = vector.load %arg5[%swap3A_44] : memref<512xi32, #tpu.memory_space<vmem>>, vector<512xi32>
    tpu.vector_store %arg5[%swap3A_44], %convert_element_type3A_43 {strides = array<i32>} : memref<512xi32, #tpu.memory_space<vmem>>, vector<512xi32>,
    %reduce_sum3A_46 = arith.constant dense<0.000000e+00> : vector<8xf32>
    %reduce_sum3A_47 = vector.multi_reduction <add>, %convert_element_type3A_28, %reduce_sum3A_46 [1] : vector<8x512xf32> to vector<8xf32>
    %broadcast_in_dim3A_48 = vector.shape_cast %reduce_sum3A_47 : vector<8xf32> to vector<8x1xf32>
    %add3A_49 = arith.addf %get3A_35, %broadcast_in_dim3A_48 : vector<8x1xf32>
    %swap3A_50 = arith.constant 0 : index
    %swap3A_51 = arith.constant 0 : index
    %swap3A_52 = vector.load %arg10[%swap3A_50, %swap3A_51] : memref<8x1xf32, #tpu.memory_space<vmem>>, vector<8x1xf32>
    tpu.vector_store %arg10[%swap3A_50, %swap3A_51], %add3A_49 {strides = array<i32>} : memref<8x1xf32, #tpu.memory_space<vmem>>, vector<8x1xf32>,
    %eq3A_53 = arith.constant 3 : i32
    %eq3A_54 = arith.cmpi eq, %arg0, %eq3A_53 : i32
    %convert_element_type3A_55 = arith.extui %eq3A_54 : i1 to i32
    %cond3A_56 = arith.constant 0 : i32
    %cond3A_57 = arith.cmpi ne, %convert_element_type3A_55, %cond3A_56 : i32
    scf.if %cond3A_57 {
      %div3A_58 = arith.constant 2.048000e+03 : f32
      %div3A_59 = vector.broadcast %div3A_58 : f32 to vector<8x1xf32>
      %div3A_60 = arith.divf %add3A_49, %div3A_59 : vector<8x1xf32>
      %add3A_61 = arith.constant 1.000000e-10 : f32
      %add3A_62 = vector.broadcast %add3A_61 : f32 to vector<8x1xf32>
      %add3A_63 = arith.addf %div3A_60, %add3A_62 : vector<8x1xf32>
      %log3A = math.log %add3A_63 : vector<8x1xf32>
      %mul3A_64 = arith.mulf %div3A_60, %log3A : vector<8x1xf32>
      %reduce_sum3A_65 = vector.shape_cast %mul3A_64 : vector<8x1xf32> to vector<1x8x1xf32>
      %reduce_sum3A_66 = arith.constant dense<0.000000e+00> : vector<1xf32>
      %reduce_sum3A_67 = vector.multi_reduction <add>, %reduce_sum3A_65, %reduce_sum3A_66 [1, 2] : vector<1x8x1xf32> to vector<1xf32>
      %reduce_sum3A_68 = vector.shape_cast %reduce_sum3A_67 : vector<1xf32> to vector<1x1x1xf32>
      %reduce_sum3A_69 = vector.extract %reduce_sum3A_68[0, 0, 0] : f32 from vector<1x1x1xf32>
      %neg3A = arith.constant 0.000000e+00 : f32
      %neg3A_70 = arith.subf %neg3A, %reduce_sum3A_69 : f32
      %mul3A_71 = arith.constant 0.00999999977 : f32
      %mul3A_72 = arith.mulf %neg3A_70, %mul3A_71 : f32
      %reshape3A = vector.broadcast %mul3A_72 : f32 to vector<1x1xf32>
      %swap3A_73 = arith.constant 0 : index
      %swap3A_74 = arith.constant 0 : index
      %swap3A_75 = vector.load %arg9[%swap3A_73, %swap3A_74] : memref<1x1xf32, #tpu.memory_space<vmem>>, vector<1x1xf32>
      tpu.vector_store %arg9[%swap3A_73, %swap3A_74], %reshape3A {strides = array<i32>} : memref<1x1xf32, #tpu.memory_space<vmem>>, vector<1x1xf32>,
      %add3A_76 = arith.constant 2.550000e+02 : f32
      %add3A_77 = vector.broadcast %add3A_76 : f32 to vector<8x1xf32>
      %add3A_78 = arith.addf %add3A_49, %add3A_77 : vector<8x1xf32>
      %div3A_79 = arith.constant 2.560000e+02 : f32
      %div3A_80 = vector.broadcast %div3A_79 : f32 to vector<8x1xf32>
      %div3A_81 = arith.divf %add3A_78, %div3A_80 : vector<8x1xf32>
      %floor3A = math.floor %div3A_81 : vector<8x1xf32>
      %mul3A_82 = arith.constant 2.560000e+02 : f32
      %mul3A_83 = vector.broadcast %mul3A_82 : f32 to vector<8x1xf32>
      %mul3A_84 = arith.mulf %floor3A, %mul3A_83 : vector<8x1xf32>
      %iota3A_85 = tpu.iota {dimensions = array<i32: 0>} : vector<8x8xi32>
      %iota3A_86 = tpu.iota {dimensions = array<i32: 1>} : vector<8x8xi32>
      %lt3A_87 = arith.cmpi slt, %iota3A_85, %iota3A_86 : vector<8x8xi32>
      %convert_element_type3A_88 = arith.extui %lt3A_87 : vector<8x8xi1> to vector<8x8xi32>
      %convert_element_type3A_89 = arith.sitofp %convert_element_type3A_88 : vector<8x8xi32> to vector<8x8xf32>
      %le3A = arith.cmpi sle, %iota3A_85, %iota3A_86 : vector<8x8xi32>
      %convert_element_type3A_90 = arith.extui %le3A : vector<8x8xi1> to vector<8x8xi32>
      %convert_element_type3A_91 = arith.sitofp %convert_element_type3A_90 : vector<8x8xi32> to vector<8x8xf32>
      %dot_general3A_92 = arith.constant dense<0.000000e+00> : vector<1x8xf32>
      %dot_general3A_93 = tpu.matmul %mul3A_84, %convert_element_type3A_89, %dot_general3A_92 {dimension_numbers = #tpu.dot_dimension_numbers<[0], [0], [1], [1], [0, 1, 1, 1], [], []>, transpose_lhs_hint = false} : vector<8x1xf32>, vector<8x8xf32>, vector<1x8xf32> -> vector<1x8xf32>
      %broadcast_in_dim3A_94 = arith.constant 0.000000e+00 : f32
      %broadcast_in_dim3A_95 = vector.broadcast %broadcast_in_dim3A_94 : f32 to vector<1x8xf32>
      %concatenate3A = tpu.concatenate %dot_general3A_93, %broadcast_in_dim3A_95 in 1 : vector<1x8xf32>, vector<1x8xf32> -> vector<1x16xf32>
      %convert_element_type3A_96 = arith.fptosi %concatenate3A : vector<1x16xf32> to vector<1x16xi32>
      %swap3A_97 = arith.constant 0 : index
      %swap3A_98 = arith.constant 0 : index
      %swap3A_99 = vector.load %arg6[%swap3A_97, %swap3A_98] : memref<1x16xi32, #tpu.memory_space<vmem>>, vector<1x16xi32>
      tpu.vector_store %arg6[%swap3A_97, %swap3A_98], %convert_element_type3A_96 {strides = array<i32>} : memref<1x16xi32, #tpu.memory_space<vmem>>, vector<1x16xi32>,
      %iota3A_100 = tpu.iota {dimensions = array<i32: 1>} : vector<1x16xi32>
      %convert_element_type3A_101 = arith.sitofp %iota3A_100 : vector<1x16xi32> to vector<1x16xf32>
      %mul3A_102 = arith.constant 2.560000e+02 : f32
      %mul3A_103 = vector.broadcast %mul3A_102 : f32 to vector<1x16xf32>
      %mul3A_104 = arith.mulf %convert_element_type3A_101, %mul3A_103 : vector<1x16xf32>
      %dot_general3A_105 = arith.constant dense<0.000000e+00> : vector<8x1xf32>
      %dot_general3A_106 = tpu.matmul %convert_element_type3A_91, %mul3A_84, %dot_general3A_105 {dimension_numbers = #tpu.dot_dimension_numbers<[0], [0], [1], [1], [0, 1, 1, 1], [], []>, transpose_lhs_hint = false} : vector<8x8xf32>, vector<8x1xf32>, vector<8x1xf32> -> vector<8x1xf32>
      %le3A_107 = vector.broadcast %dot_general3A_106 : vector<8x1xf32> to vector<8x16xf32>
      %le3A_108 = vector.broadcast %mul3A_104 : vector<1x16xf32> to vector<8x16xf32>
      %le3A_109 = arith.cmpf ole, %le3A_107, %le3A_108 : vector<8x16xf32>
      %convert_element_type3A_110 = arith.extui %le3A_109 : vector<8x16xi1> to vector<8x16xi32>
      %convert_element_type3A_111 = arith.sitofp %convert_element_type3A_110 : vector<8x16xi32> to vector<8x16xf32>
      %reduce_sum3A_112 = arith.constant dense<0.000000e+00> : vector<16xf32>
      %reduce_sum3A_113 = vector.multi_reduction <add>, %convert_element_type3A_111, %reduce_sum3A_112 [0] : vector<8x16xf32> to vector<16xf32>
      %broadcast_in_dim3A_114 = vector.shape_cast %reduce_sum3A_113 : vector<16xf32> to vector<1x16xf32>
      %min3A = arith.constant 7.000000e+00 : f32
      %min3A_115 = vector.broadcast %min3A : f32 to vector<1x16xf32>
      %min3A_116 = arith.minimumf %broadcast_in_dim3A_114, %min3A_115 : vector<1x16xf32>
      %convert_element_type3A_117 = arith.fptosi %min3A_116 : vector<1x16xf32> to vector<1x16xi32>
      %swap3A_118 = arith.constant 0 : index
      %swap3A_119 = arith.constant 0 : index
      %swap3A_120 = vector.load %arg7[%swap3A_118, %swap3A_119] : memref<1x16xi32, #tpu.memory_space<vmem>>, vector<1x16xi32>
      tpu.vector_store %arg7[%swap3A_118, %swap3A_119], %convert_element_type3A_117 {strides = array<i32>} : memref<1x16xi32, #tpu.memory_space<vmem>>, vector<1x16xi32>,
      %reduce_sum3A_121 = vector.shape_cast %mul3A_84 : vector<8x1xf32> to vector<1x8x1xf32>
      %reduce_sum3A_122 = arith.constant dense<0.000000e+00> : vector<1xf32>
      %reduce_sum3A_123 = vector.multi_reduction <add>, %reduce_sum3A_121, %reduce_sum3A_122 [1, 2] : vector<1x8x1xf32> to vector<1xf32>
      %reduce_sum3A_124 = vector.shape_cast %reduce_sum3A_123 : vector<1xf32> to vector<1x1x1xf32>
      %reduce_sum3A_125 = vector.extract %reduce_sum3A_124[0, 0, 0] : f32 from vector<1x1x1xf32>
      %lt3A_126 = vector.broadcast %reduce_sum3A_125 : f32 to vector<1x16xf32>
      %lt3A_127 = arith.cmpf olt, %mul3A_104, %lt3A_126 : vector<1x16xf32>
      %convert_element_type3A_128 = arith.extui %lt3A_127 : vector<1x16xi1> to vector<1x16xi32>
      %swap3A_129 = arith.constant 0 : index
      %swap3A_130 = arith.constant 0 : index
      %swap3A_131 = vector.load %arg8[%swap3A_129, %swap3A_130] : memref<1x16xi32, #tpu.memory_space<vmem>>, vector<1x16xi32>
      tpu.vector_store %arg8[%swap3A_129, %swap3A_130], %convert_element_type3A_128 {strides = array<i32>} : memref<1x16xi32, #tpu.memory_space<vmem>>, vector<1x16xi32>,
    } else {
    }
    return
  }
  func.func @transform_0(%arg0: i32) -> (i32, i32) {
    %c0_i32 = arith.constant 0 : i32
    %c0_i32_0 = arith.constant 0 : i32
    return %arg0, %c0_i32 : i32, i32
  }
  func.func @transform_1(%arg0: i32) -> (i32, i32) {
    %c0_i32 = arith.constant 0 : i32
    %c0_i32_0 = arith.constant 0 : i32
    %c0_i32_1 = arith.constant 0 : i32
    return %c0_i32, %c0_i32_0 : i32, i32
  }
  func.func @transform_2(%arg0: i32) -> (i32, i32) {
    %c0_i32 = arith.constant 0 : i32
    %c0_i32_0 = arith.constant 0 : i32
    %c0_i32_1 = arith.constant 0 : i32
    return %c0_i32, %c0_i32_0 : i32, i32
  }
  func.func @transform_3(%arg0: i32) -> i32 {
    %c0_i32 = arith.constant 0 : i32
    return %arg0 : i32
  }
  func.func @transform_4(%arg0: i32) -> i32 {
    %c0_i32 = arith.constant 0 : i32
    return %arg0 : i32
  }
  func.func @transform_5(%arg0: i32) -> (i32, i32) {
    %c0_i32 = arith.constant 0 : i32
    %c0_i32_0 = arith.constant 0 : i32
    %c0_i32_1 = arith.constant 0 : i32
    return %c0_i32, %c0_i32_0 : i32, i32
  }
  func.func @transform_6(%arg0: i32) -> (i32, i32) {
    %c0_i32 = arith.constant 0 : i32
    %c0_i32_0 = arith.constant 0 : i32
    %c0_i32_1 = arith.constant 0 : i32
    return %c0_i32, %c0_i32_0 : i32, i32
  }
  func.func @transform_7(%arg0: i32) -> (i32, i32) {
    %c0_i32 = arith.constant 0 : i32
    %c0_i32_0 = arith.constant 0 : i32
    %c0_i32_1 = arith.constant 0 : i32
    return %c0_i32, %c0_i32_0 : i32, i32
  }
  func.func @transform_8(%arg0: i32) -> (i32, i32) {
    %c0_i32 = arith.constant 0 : i32
    %c0_i32_0 = arith.constant 0 : i32
    %c0_i32_1 = arith.constant 0 : i32
    return %c0_i32, %c0_i32_0 : i32, i32
  }
}

module attributes {stable_mosaic.version = 14 : i64} {
  func.func @_ffn_body(%arg0: i32, %arg1: memref<16xi32, #tpu.memory_space<smem>>, %arg2: memref<16xi32, #tpu.memory_space<smem>>, %arg3: memref<256x768xf32, #tpu.memory_space<vmem>>, %arg4: memref<1x768x2048xf32, #tpu.memory_space<vmem>>, %arg5: memref<1x1x2048xf32, #tpu.memory_space<vmem>>, %arg6: memref<1x2048x768xf32, #tpu.memory_space<vmem>>, %arg7: memref<1x1x768xf32, #tpu.memory_space<vmem>>, %arg8: memref<256x768xf32, #tpu.memory_space<vmem>>) attributes {dimension_semantics = [#tpu.dimension_semantics<arbitrary>], iteration_bounds = array<i64: 15>, scalar_prefetch = 2 : i64, scratch_operands = 0 : i64, tpu.core_type = #tpu.core_type<tc>, window_params = [{transform_indices = @transform_0, window_bounds = array<i64: 256, 768>}, {transform_indices = @transform_1, window_bounds = array<i64: 1, 768, 2048>}, {transform_indices = @transform_2, window_bounds = array<i64: 1, 1, 2048>}, {transform_indices = @transform_3, window_bounds = array<i64: 1, 2048, 768>}, {transform_indices = @transform_4, window_bounds = array<i64: 1, 1, 768>}, {transform_indices = @transform_5, window_bounds = array<i64: 256, 768>}]} {
    %get3A = arith.index_cast %arg0 : i32 to index
    %get3A_0 = memref.load %arg2[%get3A] : memref<16xi32, #tpu.memory_space<smem>>
    %eq3A = arith.constant 1 : i32
    %eq3A_1 = arith.cmpi eq, %get3A_0, %eq3A : i32
    %convert_element_type3A = arith.extui %eq3A_1 : i1 to i32
    %cond3A = arith.constant 0 : i32
    %cond3A_2 = arith.cmpi ne, %convert_element_type3A, %cond3A : i32
    scf.if %cond3A_2 {
      %get3A_3 = arith.constant 0 : index
      %get3A_4 = arith.constant 0 : index
      %get3A_5 = vector.load %arg3[%get3A_3, %get3A_4] : memref<256x768xf32, #tpu.memory_space<vmem>>, vector<256x768xf32>
      %get3A_6 = arith.constant 0 : index
      %get3A_7 = arith.constant 0 : index
      %get3A_8 = arith.constant 0 : index
      %get3A_9 = vector.load %arg4[%get3A_6, %get3A_7, %get3A_8] : memref<1x768x2048xf32, #tpu.memory_space<vmem>>, vector<1x768x2048xf32>
      %get3A_10 = vector.shape_cast %get3A_9 : vector<1x768x2048xf32> to vector<768x2048xf32>
      %dot_general3A = arith.constant dense<0.000000e+00> : vector<256x2048xf32>
      %dot_general3A_11 = tpu.matmul %get3A_5, %get3A_10, %dot_general3A {dimension_numbers = #tpu.dot_dimension_numbers<[1], [0], [0], [1], [0, 0, 1, 1], [], []>, transpose_lhs_hint = false} : vector<256x768xf32>, vector<768x2048xf32>, vector<256x2048xf32> -> vector<256x2048xf32>
      %get3A_12 = arith.constant 0 : index
      %get3A_13 = arith.constant 0 : index
      %get3A_14 = arith.constant 0 : index
      %get3A_15 = vector.load %arg5[%get3A_12, %get3A_13, %get3A_14] : memref<1x1x2048xf32, #tpu.memory_space<vmem>>, vector<1x1x2048xf32>
      %get3A_16 = vector.shape_cast %get3A_15 : vector<1x1x2048xf32> to vector<1x2048xf32>
      %add3A = vector.broadcast %get3A_16 : vector<1x2048xf32> to vector<256x2048xf32>
      %add3A_17 = arith.addf %dot_general3A_11, %add3A : vector<256x2048xf32>
      %max3A = arith.constant 0.000000e+00 : f32
      %max3A_18 = vector.broadcast %max3A : f32 to vector<256x2048xf32>
      %max3A_19 = arith.maximumf %add3A_17, %max3A_18 : vector<256x2048xf32>
      %get3A_20 = arith.constant 0 : index
      %get3A_21 = arith.constant 0 : index
      %get3A_22 = arith.constant 0 : index
      %get3A_23 = vector.load %arg6[%get3A_20, %get3A_21, %get3A_22] : memref<1x2048x768xf32, #tpu.memory_space<vmem>>, vector<1x2048x768xf32>
      %get3A_24 = vector.shape_cast %get3A_23 : vector<1x2048x768xf32> to vector<2048x768xf32>
      %dot_general3A_25 = arith.constant dense<0.000000e+00> : vector<256x768xf32>
      %dot_general3A_26 = tpu.matmul %max3A_19, %get3A_24, %dot_general3A_25 {dimension_numbers = #tpu.dot_dimension_numbers<[1], [0], [0], [1], [0, 0, 1, 1], [], []>, transpose_lhs_hint = false} : vector<256x2048xf32>, vector<2048x768xf32>, vector<256x768xf32> -> vector<256x768xf32>
      %get3A_27 = arith.constant 0 : index
      %get3A_28 = arith.constant 0 : index
      %get3A_29 = arith.constant 0 : index
      %get3A_30 = vector.load %arg7[%get3A_27, %get3A_28, %get3A_29] : memref<1x1x768xf32, #tpu.memory_space<vmem>>, vector<1x1x768xf32>
      %get3A_31 = vector.shape_cast %get3A_30 : vector<1x1x768xf32> to vector<1x768xf32>
      %add3A_32 = vector.broadcast %get3A_31 : vector<1x768xf32> to vector<256x768xf32>
      %add3A_33 = arith.addf %dot_general3A_26, %add3A_32 : vector<256x768xf32>
      %swap3A = arith.constant 0 : index
      %swap3A_34 = arith.constant 0 : index
      %swap3A_35 = vector.load %arg8[%swap3A, %swap3A_34] : memref<256x768xf32, #tpu.memory_space<vmem>>, vector<256x768xf32>
      tpu.vector_store %arg8[%swap3A, %swap3A_34], %add3A_33 {strides = array<i32>} : memref<256x768xf32, #tpu.memory_space<vmem>>, vector<256x768xf32>,
    } else {
    }
    return
  }
  func.func @transform_0(%arg0: i32, %arg1: memref<16xi32, #tpu.memory_space<smem>>, %arg2: memref<16xi32, #tpu.memory_space<smem>>) -> (i32, i32) {
    %get3A = arith.index_cast %arg0 : i32 to index
    %get3A_0 = memref.load %arg2[%get3A] : memref<16xi32, #tpu.memory_space<smem>>
    %mul3A = arith.muli %arg0, %get3A_0 : i32
    %c0_i32 = arith.constant 0 : i32
    %c0_i32_1 = arith.constant 0 : i32
    return %mul3A, %c0_i32 : i32, i32
  }
  func.func @transform_1(%arg0: i32, %arg1: memref<16xi32, #tpu.memory_space<smem>>, %arg2: memref<16xi32, #tpu.memory_space<smem>>) -> (i32, i32, i32) {
    %get3A = arith.index_cast %arg0 : i32 to index
    %get3A_0 = memref.load %arg1[%get3A] : memref<16xi32, #tpu.memory_space<smem>>
    %c0_i32 = arith.constant 0 : i32
    %c0_i32_1 = arith.constant 0 : i32
    %c0_i32_2 = arith.constant 0 : i32
    return %get3A_0, %c0_i32, %c0_i32_1 : i32, i32, i32
  }
  func.func @transform_2(%arg0: i32, %arg1: memref<16xi32, #tpu.memory_space<smem>>, %arg2: memref<16xi32, #tpu.memory_space<smem>>) -> (i32, i32, i32) {
    %get3A = arith.index_cast %arg0 : i32 to index
    %get3A_0 = memref.load %arg1[%get3A] : memref<16xi32, #tpu.memory_space<smem>>
    %c0_i32 = arith.constant 0 : i32
    %c0_i32_1 = arith.constant 0 : i32
    %c0_i32_2 = arith.constant 0 : i32
    return %get3A_0, %c0_i32, %c0_i32_1 : i32, i32, i32
  }
  func.func @transform_3(%arg0: i32, %arg1: memref<16xi32, #tpu.memory_space<smem>>, %arg2: memref<16xi32, #tpu.memory_space<smem>>) -> (i32, i32, i32) {
    %get3A = arith.index_cast %arg0 : i32 to index
    %get3A_0 = memref.load %arg1[%get3A] : memref<16xi32, #tpu.memory_space<smem>>
    %c0_i32 = arith.constant 0 : i32
    %c0_i32_1 = arith.constant 0 : i32
    %c0_i32_2 = arith.constant 0 : i32
    return %get3A_0, %c0_i32, %c0_i32_1 : i32, i32, i32
  }
  func.func @transform_4(%arg0: i32, %arg1: memref<16xi32, #tpu.memory_space<smem>>, %arg2: memref<16xi32, #tpu.memory_space<smem>>) -> (i32, i32, i32) {
    %get3A = arith.index_cast %arg0 : i32 to index
    %get3A_0 = memref.load %arg1[%get3A] : memref<16xi32, #tpu.memory_space<smem>>
    %c0_i32 = arith.constant 0 : i32
    %c0_i32_1 = arith.constant 0 : i32
    %c0_i32_2 = arith.constant 0 : i32
    return %get3A_0, %c0_i32, %c0_i32_1 : i32, i32, i32
  }
  func.func @transform_5(%arg0: i32, %arg1: memref<16xi32, #tpu.memory_space<smem>>, %arg2: memref<16xi32, #tpu.memory_space<smem>>) -> (i32, i32) {
    %c0_i32 = arith.constant 0 : i32
    %c0_i32_0 = arith.constant 0 : i32
    return %arg0, %c0_i32 : i32, i32
  }
}

module attributes {stable_mosaic.version = 14 : i64} {
  func.func @_proj_body(%arg0: i32, %arg1: memref<1024x768xf32, #tpu.memory_space<vmem>>, %arg2: memref<768x768xf32, #tpu.memory_space<vmem>>, %arg3: memref<1x768xf32, #tpu.memory_space<vmem>>, %arg4: memref<1024x768xf32, #tpu.memory_space<vmem>>) attributes {dimension_semantics = [#tpu.dimension_semantics<arbitrary>], iteration_bounds = array<i64: 2>, scalar_prefetch = 0 : i64, scratch_operands = 0 : i64, tpu.core_type = #tpu.core_type<tc>, window_params = [{transform_indices = @transform_0, window_bounds = array<i64: 1024, 768>}, {pipeline_mode = #tpu.pipeline_mode<synchronous>, transform_indices = @transform_1, window_bounds = array<i64: 768, 768>}, {pipeline_mode = #tpu.pipeline_mode<synchronous>, transform_indices = @transform_2, window_bounds = array<i64: 1, 768>}, {transform_indices = @transform_3, window_bounds = array<i64: 1024, 768>}]} {
    %get3A = arith.constant 0 : index
    %get3A_0 = arith.constant 0 : index
    %get3A_1 = vector.load %arg1[%get3A, %get3A_0] : memref<1024x768xf32, #tpu.memory_space<vmem>>, vector<1024x768xf32>
    %get3A_2 = arith.constant 0 : index
    %get3A_3 = arith.constant 0 : index
    %get3A_4 = vector.load %arg2[%get3A_2, %get3A_3] : memref<768x768xf32, #tpu.memory_space<vmem>>, vector<768x768xf32>
    %dot_general3A = arith.constant dense<0.000000e+00> : vector<1024x768xf32>
    %dot_general3A_5 = tpu.matmul %get3A_1, %get3A_4, %dot_general3A {dimension_numbers = #tpu.dot_dimension_numbers<[1], [0], [0], [1], [0, 0, 1, 1], [], []>, transpose_lhs_hint = false} : vector<1024x768xf32>, vector<768x768xf32>, vector<1024x768xf32> -> vector<1024x768xf32>
    %get3A_6 = arith.constant 0 : index
    %get3A_7 = arith.constant 0 : index
    %get3A_8 = vector.load %arg3[%get3A_6, %get3A_7] : memref<1x768xf32, #tpu.memory_space<vmem>>, vector<1x768xf32>
    %add3A = vector.broadcast %get3A_8 : vector<1x768xf32> to vector<1024x768xf32>
    %add3A_9 = arith.addf %dot_general3A_5, %add3A : vector<1024x768xf32>
    %swap3A = arith.constant 0 : index
    %swap3A_10 = arith.constant 0 : index
    %swap3A_11 = vector.load %arg4[%swap3A, %swap3A_10] : memref<1024x768xf32, #tpu.memory_space<vmem>>, vector<1024x768xf32>
    tpu.vector_store %arg4[%swap3A, %swap3A_10], %add3A_9 {strides = array<i32>} : memref<1024x768xf32, #tpu.memory_space<vmem>>, vector<1024x768xf32>,
    return
  }
  func.func @transform_0(%arg0: i32) -> (i32, i32) {
    %c0_i32 = arith.constant 0 : i32
    %c0_i32_0 = arith.constant 0 : i32
    return %arg0, %c0_i32 : i32, i32
  }
  func.func @transform_1(%arg0: i32) -> (i32, i32) {
    %c0_i32 = arith.constant 0 : i32
    %c0_i32_0 = arith.constant 0 : i32
    %c0_i32_1 = arith.constant 0 : i32
    return %c0_i32, %c0_i32_0 : i32, i32
  }
  func.func @transform_2(%arg0: i32) -> (i32, i32) {
    %c0_i32 = arith.constant 0 : i32
    %c0_i32_0 = arith.constant 0 : i32
    %c0_i32_1 = arith.constant 0 : i32
    return %c0_i32, %c0_i32_0 : i32, i32
  }
  func.func @transform_3(%arg0: i32) -> (i32, i32) {
    %c0_i32 = arith.constant 0 : i32
    %c0_i32_0 = arith.constant 0 : i32
    return %arg0, %c0_i32 : i32, i32
  }
}

</mosaic_0001>

<sc_bundles>
// kernel: kernel.10.cloned.1.call-start
scs
__scs_entry_jumppad:
0x0: {  	(pc) =	sbr.rel $0x88, $3  }
0x1: {  	(tag) =	ssettag $0x0;
	lr =	simm.s32 $0x1  }
0x2: {  	[smem:$0x3F98] =	sst lr;
	_ =	strace $0xD0000000  }
0x3: {  	_ = 	snop  }
0x4: {  	_ = 	snop  }
0x5: {  	_ = 	snop  }
0x6: {  	_ = 	snop  }
0x7: {  	_ = 	snop  }
__scs_overlays_trampoline_lowered:
0x8: {  	[smem:$0x3FA7] =	sst s0  }
0x9: {  	[smem:$0x3FA8] =	sst s1  }
0xa: {  	[smem:$0x3FA9] =	sst s2  }
0xb: {  	[smem:$0x3FAA] =	sst s3  }
0xc: {  	[smem:$0x3FAB] =	sst s4  }
0xd: {  	[smem:$0x3FAC] =	sst s5  }
0xe: {  	[smem:$0x3FAD] =	sst s6  }
0xf: {  	[smem:$0x3FAE] =	sst s7  }
0x10: {  	[smem:$0x3FAF] =	sst s8  }
0x11: {  	[smem:$0x3FB0] =	sst s9;
	s0 =	simm.s32 @!p0 $0x0  }
0x12: {  	s1 =	sld [smem:$0x3F96];
	s0 =	simm.s32 @p0 $0x1  }
0x13: {  	[smem:$0x3FB1] =	sst s0;
	s0 =	simm.s32 @!p1 $0x0  }
0x14: {  	s2 =	sld [smem:$0x3F95];
	s0 =	simm.s32 @p1 $0x1  }
0x15: {  	[smem:$0x3FB2] =	sst s0;
	s0 =	simm.s32 @!p2 $0x0  }
0x16: {  	s3 =	sld [smem:$0x3FDB];
	s0 =	simm.s32 @p2 $0x1  }
0x17: {  	s4 =	simm.s32 $0x1BF5;
	[smem:$0x3FB4] =	sst s0  }
0x18: {  	s0 =	sld [smem:$0x3F97];
	_ =	swait.ge [sflag:s4], $0x0  }
0x19: {  	s7 =	sld [smem:$0x3F98]  }
0x1a: {  	s8 =	sadd.s32 $0xFFFFE003, lr  }
0x1b: {  	s9 =	sadd.s32 $0xFFFFFEF7, lr;
	s5 =	simm.s32 $0xFFFFFFFF;
	p2 =	slt.u32 s8, $0xFFFFF086  }
0x1c: {  	p1 =	slt.u32 s9, $0xF7A;
	s5 =	simm.s32 @!p2 $0x0  }
0x1d: {  	s5 =	simm.s32 @p1 $0x1;
	p0 =	seq.s32 s7, s2  }
0x1e: {  	s7 =	smul.u32 @!p0 $0xF7A, s2;
	p2 =	seq.s32 @!p0 s5, $0x0  }
0x1f: {  	s9 =	smul.u32 $0xF7A, s1;
	s8 =	simm.s32 @!p0 $0x1BF5;
	p2 =	por !p2, p0  }
0x20: {  	[sflag:s8] =	ssyncset.s32 @!p0 $0xFFFFF086;
	s6 =	sadd.s32 @!p0 s3, s7;
	s7 =	simm.s32 @!p0 $0x108  }
0x21: {  	s3 =	sadd.s32 s3, s9;
	s6 =	sadd.s32 @!p0 $0x88, s6;
	s7 =	simm.s32 @p2 $0x1082  }
0x22: {  	[simem:s7], [sflag:s8] =	dma.local @!p0 [hbm:s6], $0xF7A  }
0x23: {  	s9 =	sor.u32 $0xD0000000, s2;
	s6 =	simm.s32 $0x108;
	_ =	swait.ge @!p0 [sflag:s8], $0x0  }
0x24: {  	s3 =	sadd.s32 $0x88, s3;
	s6 =	simm.s32 @!p1 $0x1082;
	[sflag:s4] =	ssyncset.s32 $0xFFFFF086  }
0x25: {  	[simem:s6], [sflag:s4] =	dma.local [hbm:s3], $0xF7A  }
0x26: {  	[smem:$0x3F98] =	sst s1;
	(tag) =	ssettag s2;
	_ =	strace s9  }
0x27: {  	s1 =	sld [smem:$0x3FA8]  }
0x28: {  	s2 =	sld [smem:$0x3FA9]  }
0x29: {  	s4 =	sld [smem:$0x3FAB]  }
0x2a: {  	p0 =	seq.s32 s5, $0x0;
	s5 =	sld [smem:$0x3FAC]  }
0x2b: {  	s6 =	sld [smem:$0x3FAD]  }
0x2c: {  	s7 =	sld [smem:$0x3FAE]  }
0x2d: {  	s3 =	simm.s32 $0x108;
	s8 =	sld [smem:$0x3FAF]  }
0x2e: {  	s3 =	simm.s32 @!p0 $0x1082;
	s9 =	sld [smem:$0x3FB0]  }
0x2f: {  	lr =	sadd.s32 s0, s3;
	s0 =	sld [smem:$0x3FA7]  }
0x30: {  	s3 =	sld [smem:$0x3FAA]  }
0x31: {  	[smem:$0x3FB3] =	sst s10  }
0x32: {  	s10 =	sld [smem:$0x3FB1];
	_ =	sdelay $0x3  }
0x33: {  	p0 =	seq.s32 s10, $0x1;
	s10 =	sld [smem:$0x3FB3];
	_ =	sdelay $0x3  }
0x34: {  	[smem:$0x3FB3] =	sst s10  }
0x35: {  	s10 =	sld [smem:$0x3FB2];
	_ =	sdelay $0x3  }
0x36: {  	p1 =	seq.s32 s10, $0x1;
	s10 =	sld [smem:$0x3FB3];
	_ =	sdelay $0x3  }
0x37: {  	[smem:$0x3FB3] =	sst s10  }
0x38: {  	s10 =	sld [smem:$0x3FB4]  }
0x39: {  	_ = 	snop;
	(pc) =	sbr.ind lr, $3  }
0x3a: {  	_ = 	snop  }
0x3b: {  	_ = 	snop  }
0x3c: {  	p2 =	seq.s32 s10, $0x1;
	s10 =	sld [smem:$0x3FB3]  }
0x3d: {  	_ =	shalt  }
0x3e: {  	_ =	shalt  }
0x3f: {  	_ =	shalt  }
0x40: {  	_ =	shalt  }
0x41: {  	_ =	shalt  }
0x42: {  	_ =	shalt  }
0x43: {  	_ =	shalt  }
0x44: {  	_ =	shalt  }
0x45: {  	_ =	shalt  }
0x46: {  	_ =	shalt  }
0x47: {  	_ =	shalt  }
0x48: {  	_ =	shalt  }
0x49: {  	_ =	shalt  }
0x4a: {  	_ =	shalt  }
0x4b: {  	_ =	shalt  }
0x4c: {  	_ =	shalt  }
0x4d: {  	_ =	shalt  }
0x4e: {  	_ =	shalt  }
0x4f: {  	_ =	shalt  }
0x50: {  	_ =	shalt  }
0x51: {  	_ =	shalt  }
0x52: {  	_ =	shalt  }
0x53: {  	_ =	shalt  }
0x54: {  	_ =	shalt  }
0x55: {  	_ =	shalt  }
0x56: {  	_ =	shalt  }
0x57: {  	_ =	shalt  }
0x58: {  	_ =	shalt  }
0x59: {  	_ =	shalt  }
0x5a: {  	_ =	shalt  }
0x5b: {  	_ =	shalt  }
0x5c: {  	_ =	shalt  }
0x5d: {  	_ =	shalt  }
0x5e: {  	_ =	shalt  }
0x5f: {  	_ =	shalt  }
0x60: {  	_ =	shalt  }
0x61: {  	_ =	shalt  }
0x62: {  	_ =	shalt  }
0x63: {  	_ =	shalt  }
0x64: {  	_ =	shalt  }
0x65: {  	_ =	shalt  }
0x66: {  	_ =	shalt  }
0x67: {  	_ =	shalt  }
0x68: {  	_ =	shalt  }
0x69: {  	_ =	shalt  }
0x6a: {  	_ =	shalt  }
0x6b: {  	_ =	shalt  }
0x6c: {  	_ =	shalt  }
0x6d: {  	_ =	shalt  }
0x6e: {  	_ =	shalt  }
0x6f: {  	_ =	shalt  }
0x70: {  	_ =	shalt  }
0x71: {  	_ =	shalt  }
0x72: {  	_ =	shalt  }
0x73: {  	_ =	shalt  }
0x74: {  	_ =	shalt  }
0x75: {  	_ =	shalt  }
0x76: {  	_ =	shalt  }
0x77: {  	_ =	shalt  }
0x78: {  	_ =	shalt  }
0x79: {  	_ =	shalt  }
0x7a: {  	_ =	shalt  }
0x7b: {  	_ =	shalt  }
0x7c: {  	_ =	shalt  }
0x7d: {  	_ =	shalt  }
0x7e: {  	_ =	shalt  }
0x7f: {  	_ =	shalt  }
0x80: {  	_ =	shalt  }
0x81: {  	_ =	shalt  }
0x82: {  	_ =	shalt  }
0x83: {  	_ =	shalt  }
0x84: {  	_ =	shalt  }
0x85: {  	_ =	shalt  }
0x86: {  	_ =	shalt  }
0x87: {  	_ =	shalt  }
.Lfunc_end0:
.L_simem_size_0:
called_computation.1_lowered:
.L_overlay_start_0:
0x88: {  	s2 =	sld [smem:$0x3FD9]  }
0x89: {  	s3 =	sld [smem:$0x3FFE];
	_ =	sdelay $0x1  }
0x8a: {  	s1 =	srdreg.scid  }
0x8b: {  	s0 =	sand.u32 $0x1, s1  }
0x8c: {  	s14 =	sshll.u32 s0, $0xA;
	s2 =	sadd.s32 s3, s2  }
0x8d: {  	s2 =	sadd.s32 s2, s14  }
0x8e: {  	[smem:$0x3FBF] =	sst s2  }
0x8f: {  	_ = 	snop  }
0x90: {  	s2 =	sld [smem:$0x3FD0];
	_ =	sdelay $0x2  }
0x91: {  	s15 =	simm.s32 $0xA;
	s4 =	simm.s32 $0x10  }
0x92: {  	[smem:s4], [sflag:s15] =	dma.local [hbm:s2], $0x1  }
0x93: {  	_ =	swait.eq [sflag:s15], $0x1  }
0x94: {  	[sflag:s15] =	ssyncset.done $0x0  }
0x95: {  	[sflag:s15] =	ssyncadd.s32 $0xFFFFFFFF  }
0x96: {  	s16 =	sld [smem:$0x10];
	(tm) =	ssettm $0x1  }
0x97: {  	s17 =	sld [smem:$0x3FFB];
	_ =	sdelay $0x3  }
0x98: {  	_ =	strace s17  }
0x99: {  	s3 =	sld [smem:$0x3FFC];
	_ =	sdelay $0x3  }
0x9a: {  	_ =	strace s3  }
0x9b: {  	s3 =	sld [smem:$0x3FFD];
	_ =	sdelay $0x3  }
0x9c: {  	_ =	strace s3  }
0x9d: {  	_ =	strace $0x8FFFFFFF  }
0x9e: {  	s18 =	sld [smem:$0x3FDB];
	_ =	sdelay $0x1  }
0x9f: {  	s19 =	simm.s32 $_scs_section_size  }
0xa0: {  	s5 =	simm.s32 $_size__tile_overlayer_lowered;
	s6 =	simm.s32 $_tile_overlayer_lowered  }
0xa1: {  	s22 =	simm.s32 $0x1BFF;
	s21 =	sshll.u32 s6, $0x1;
	s3 =	sadd.s32 s19, s18  }
0xa2: {  	s7 =	simm.s32 $0x0;
	s20 =	sshll.u32 s5, $0x1;
	s5 =	sadd.s32 s21, s3  }
0xa3: {  	[timem:s7], [sflag:s22] =	dma.local [hbm:s5], s20  }
0xa4: {  	_ =	swait.ge [sflag:s22], s20  }
0xa5: {  	s4 =	ssub.s32 $0x0, s20;
	[sflag:s22] =	ssyncset.done $0x0  }
0xa6: {  	[sflag:s22] =	ssyncadd.s32 s4;
	_ =	sdelay $0x1  }
0xa7: {  	s23 =	simm.s32 $0x1B8B  }
0xa8: {  	_ =	swait.ge [sflag:s23], $0x1  }
0xa9: {  	[sflag:s23] =	ssyncset.done $0x0  }
0xaa: {  	s25 =	simm.s32 $0x1B8E;
	s24 =	sld [smem:$0x3FFE];
	[sflag:s23] =	ssyncadd.s32 $0xFFFFFFFF  }
0xab: {  	s26 =	simm.s32 $execute0_lowered;
	[smem:$0x3FD2] =	sst s25  }
0xac: {  	s5 =	sshll.u32 s26, $0x1;
	_ =	strace $0x80000049;
	[dreg:$0x1] =	wrdreg $0xFFFFFFFF  }
0xad: {  	s28 =	simm.s32 $_size_execute0_lowered;
	s3 =	sadd.s32 s3, s5;
	[dreg:$0x0] =	wrdreg $0x0  }
0xae: {  	s5 =	sshll.u32 s28, $0x1;
	[dreg:$0x2] =	wrdreg s3  }
0xaf: {  	[dreg:$0x3] =	wrdreg s5  }
0xb0: {  	[dreg:$0x4] =	wrdreg $0xC0  }
0xb1: {  	_ =	task [dreg:s7], $0x5FFFF  }
0xb2: {  	[dreg:$0x1] =	wrdreg $0xFFFFFFFF  }
0xb3: {  	[dreg:$0x0] =	wrdreg $0x60  }
0xb4: {  	[dreg:$0x2] =	wrdreg s24  }
0xb5: {  	[dreg:$0x3] =	wrdreg s16  }
0xb6: {  	[dreg:$0x4] =	wrdreg $0x9  }
0xb7: {  	_ =	task.clear_ibuf [dreg:s7], $0x5FFFF;
	_ =	strace $0x90000049  }
0xb8: {  	s29 =	simm.s32 $0x9;
	_ =	strace $0x8000004B  }
0xb9: {  	_ =	swait.ge [sflag:s29], $0x1  }
0xba: {  	[sflag:s29] =	ssyncadd.s32 $0xFFFFFFFF  }
0xbb: {  	_ =	strace $0x9000004B  }
0xbc: {  	_ =	sfence  }
0xbd: {  	s30 =	sld [smem:$0x0];
	_ =	sdelay $0x2  }
0xbe: {  	s31 =	sshll.u32 s1, $0xD;
	s1 =	sshrl.u32 s1, $0x2  }
0xbf: {  	s3 =	sand.u32 $0x4000, s31;
	s1 =	sadd.s32 s1, s30  }
0xc0: {  	s0 =	sor.u32 s3, s0;
	s1 =	sshll.u32 s1, $0x11  }
0xc1: {  	s0 =	sor.u32 s1, s0  }
0xc2: {  	s0 =	sadd.s32 $0x8F2B, s0  }
0xc3: {  	[sflag:s0] =	ssyncadd.remote.s32 $0x1  }
0xc4: {  	_ =	sfence.sel $0xFFFF  }
0xc5: {  	[dreg:$0x0] =	wrdreg $0xFFFFFFFF;
	(pc) =	sbr.abs _section_cstart, $3  }
0xc6: {  	[dreg:$0x1] =	wrdreg $0xFFFFFFFF  }
0xc7: {  	_ =	task.clear_ibuf [dreg:s7], $0x2FFFF;
	_ =	strace $0x9FFFFFFF  }
0xc8: {  	(tm) =	ssettm $0x7FFFFFFF  }
0xc9: {  	_ =	shalt  }
tec
execute0_lowered:
.L_overlay_start_1:
0x0: {  	(tag) =	ssettag $0x1  }
0x1: {  	s0 =	rddreg [dreg:$0x0]  }
0x2: {  	s5 =	rddreg [dreg:$0x1];
	s3 =	srdreg.scid  }
0x3: {  	s2 =	simm.s32 $0x0;
	s1 =	stileid.u32;
	s26 =	simm.s32 $0x880  }
0x4: {  	s10 =	simm.s32 $0x1880;
	s11 =	simm.s32 $0x2080;
	s12 =	simm.s32 $0x2880  }
0x5: {  	s13 =	simm.s32 $0x3080;
	s14 =	simm.s32 $0x3880;
	s15 =	simm.s32 $0x4080  }
0x6: {  	s16 =	simm.s32 $0x4880;
	s17 =	simm.s32 $0x5080;
	s18 =	simm.s32 $0x5880  }
0x7: {  	s19 =	simm.s32 $0x6080;
	s20 =	simm.s32 $0x6880;
	s21 =	simm.s32 $0x7080  }
0x8: {  	s22 =	simm.s32 $0x7880;
	s28 =	simm.s32 $0xA080;
	s29 =	simm.s32 $0xA880  }
0x9: {  	s30 =	simm.s32 $0xB080;
	s31 =	simm.s32 $0xB880;
	s3 =	sand.u32 $0x1, s3  }
0xa: {  	[smem:$0x7FF] =	sst s2;
	s4 =	sshll.u32 s1, $0x4;
	s6 =	sshll.u32 s3, $0x3  }
0xb: {  	_ =	strace $0x8000004A;
	s23 =	ssub.s32 $0x2, s3;
	s3 =	sadd.s32 $0x5D400, s0  }
0xc: {  	[dreg:$0x5] =	wrdreg s26;
	s26 =	simm.s32 $0x9880;
	s4 =	sor.u32 s6, s4  }
0xd: {  	s8 =	sshrl.u32 s23, $0x1;
	s7 =	sadd.s32 s4, s0;
	s9 =	smul.u32 $0x300, s4  }
0xe: {  	s6 =	ssub.s32 s23, s8;
	s4 =	sadd.s32 $0x5D500, s0;
	s8 =	simm.s32 $0x80  }
0xf: {  	s23 =	simm.s32 $0x8080;
	s24 =	sadd.s32 $0x5CE00, s7;
	s6 =	smax.u32 s6, $0x1  }
0x10: {  	v2 =	vlaneseq.u32;
	s7 =	simm.s32 $0x2;
	[dreg:$0x3] =	wrdreg s24;
	s25 =	sadd.s32 s5, s9  }
0x11: {  	vm0 =	vmmov $0xffff;
	v1 =	vshrl.u32 v2, $0x3;
	s5 =	sadd.s32 $0x5D600, s0;
	s9 =	simm.s32 $0x1080;
	s24 =	simm.s32 $0x8880  }
0x12: {  	v0 =	vand.u32 $0x7, v2;
	v2 =	vor.u32 $0x8, v2;
	v1 =	vmul.u32 $0x8, v1;
	s0 =	simm.s32 $0x1;
	[dreg:$0x4] =	wrdreg s25;
	s25 =	simm.s32 $0x9080  }
.LBB2_1:
0x13: {  	s1 =	rddreg [dreg:$0x3]  }
0x14: {  	[tilespmem:s2], [sflag:$0x2] =	stream.linear.gather [hbm4b:s1+s2], $0x40, $0x38;
	[tilespmem:$0xC080] =	vst v63  }
0x15: {  	_ =	swait.ge [sflag:s7], $0x40  }
0x16: {  	[sflag:s7] =	ssyncset.done $0x0  }
0x17: {  	[sflag:s7] =	ssyncadd.s32 $0xFFFFFFC0  }
0x18: {  	v3 =	vld [tilespmem:$0x0];
	_ =	sdelay $0x4  }
0x19: {  	v4 =	vshrl.u32 v3, $0x3  }
0x1a: {  	v4 =	vmul.u32 $0x30, v4  }
0x1b: {  	v3 =	vand.u32 $0x7, v3  }
0x1c: {  	v3 =	vor.u32 v3, v4  }
0x1d: {  	v4 =	vperm.xlane v3, v0;
	_ =	sdelay $0x1  }
0x1e: {  	v4 =	vadd.s32 v1, v4;
	_ =	sdelay $0x3  }
0x1f: {  	v3 =	vperm.xlane v3, v2  }
0x20: {  	[tilespmem:s8], [sflag:$0x1] =	stream.indirect_vreg.gather [hbm4b:s3+s2], $0x80, v4, vm0, $0xb8;
	[tilespmem:$0xC080] =	vst v63  }
0x21: {  	s1 =	rddreg [dreg:$0x5];
	v3 =	vadd.s32 v1, v3  }
0x22: {  	[tilespmem:s1], [sflag:$0x1] =	stream.indirect_vreg.gather [hbm4b:s4+s2], $0x80, v4, vm0, $0xb8;
	[tilespmem:$0xC080] =	vst v63  }
0x23: {  	_ = 	snop  }
0x24: {  	[tilespmem:s9], [sflag:$0x1] =	stream.indirect_vreg.gather [hbm4b:s5+s2], $0x80, v4, vm0, $0xb8;
	[tilespmem:$0xC080] =	vst v63  }
0x25: {  	_ = 	snop  }
0x26: {  	[tilespmem:s10], [sflag:$0x1] =	stream.indirect_vreg.gather [hbm4b:s3+s2], $0x80, v3, vm0, $0xb8;
	[tilespmem:$0xC080] =	vst v63  }
0x27: {  	_ = 	snop  }
0x28: {  	[tilespmem:s11], [sflag:$0x1] =	stream.indirect_vreg.gather [hbm4b:s4+s2], $0x80, v3, vm0, $0xb8;
	[tilespmem:$0xC080] =	vst v63  }
0x29: {  	_ = 	snop  }
0x2a: {  	[tilespmem:s12], [sflag:$0x1] =	stream.indirect_vreg.gather [hbm4b:s5+s2], $0x80, v3, vm0, $0xb8;
	[tilespmem:$0xC080] =	vst v63  }
0x2b: {  	v3 =	vld [tilespmem:$0x10];
	_ =	sdelay $0x4  }
0x2c: {  	v61 =	vshrl.u32 v3, $0x3  }
0x2d: {  	v4 =	vmul.u32 $0x30, v61  }
0x2e: {  	v3 =	vand.u32 $0x7, v3  }
0x2f: {  	v3 =	vor.u32 v3, v4  }
0x30: {  	v4 =	vperm.xlane v3, v0;
	_ =	sdelay $0x1  }
0x31: {  	v4 =	vadd.s32 v1, v4;
	_ =	sdelay $0x3  }
0x32: {  	v3 =	vperm.xlane v3, v2  }
0x33: {  	[tilespmem:s13], [sflag:$0x1] =	stream.indirect_vreg.gather [hbm4b:s3+s2], $0x80, v4, vm0, $0xb8;
	[tilespmem:$0xC080] =	vst v63  }
0x34: {  	v3 =	vadd.s32 v1, v3  }
0x35: {  	[tilespmem:s14], [sflag:$0x1] =	stream.indirect_vreg.gather [hbm4b:s4+s2], $0x80, v4, vm0, $0xb8;
	[tilespmem:$0xC080] =	vst v63  }
0x36: {  	_ = 	snop  }
0x37: {  	[tilespmem:s15], [sflag:$0x1] =	stream.indirect_vreg.gather [hbm4b:s5+s2], $0x80, v4, vm0, $0xb8;
	[tilespmem:$0xC080] =	vst v63  }
0x38: {  	_ = 	snop  }
0x39: {  	[tilespmem:s16], [sflag:$0x1] =	stream.indirect_vreg.gather [hbm4b:s3+s2], $0x80, v3, vm0, $0xb8;
	[tilespmem:$0xC080] =	vst v63  }
0x3a: {  	_ = 	snop  }
0x3b: {  	[tilespmem:s17], [sflag:$0x1] =	stream.indirect_vreg.gather [hbm4b:s4+s2], $0x80, v3, vm0, $0xb8;
	[tilespmem:$0xC080] =	vst v63  }
0x3c: {  	_ = 	snop  }
0x3d: {  	[tilespmem:s18], [sflag:$0x1] =	stream.indirect_vreg.gather [hbm4b:s5+s2], $0x80, v3, vm0, $0xb8;
	[tilespmem:$0xC080] =	vst v63  }
0x3e: {  	v3 =	vld [tilespmem:$0x20];
	_ =	sdelay $0x4  }
0x3f: {  	v62 =	vshrl.u32 v3, $0x3  }
0x40: {  	v4 =	vmul.u32 $0x30, v62  }
0x41: {  	v3 =	vand.u32 $0x7, v3  }
0x42: {  	v3 =	vor.u32 v3, v4  }
0x43: {  	v4 =	vperm.xlane v3, v0;
	_ =	sdelay $0x1  }
0x44: {  	v4 =	vadd.s32 v1, v4;
	_ =	sdelay $0x3  }
0x45: {  	v3 =	vperm.xlane v3, v2  }
0x46: {  	[tilespmem:s19], [sflag:$0x1] =	stream.indirect_vreg.gather [hbm4b:s3+s2], $0x80, v4, vm0, $0xb8;
	[tilespmem:$0xC080] =	vst v63  }
0x47: {  	v3 =	vadd.s32 v1, v3  }
0x48: {  	[tilespmem:s20], [sflag:$0x1] =	stream.indirect_vreg.gather [hbm4b:s4+s2], $0x80, v4, vm0, $0xb8;
	[tilespmem:$0xC080] =	vst v63  }
0x49: {  	_ = 	snop  }
0x4a: {  	[tilespmem:s21], [sflag:$0x1] =	stream.indirect_vreg.gather [hbm4b:s5+s2], $0x80, v4, vm0, $0xb8;
	[tilespmem:$0xC080] =	vst v63  }
0x4b: {  	_ = 	snop  }
0x4c: {  	[tilespmem:s22], [sflag:$0x1] =	stream.indirect_vreg.gather [hbm4b:s3+s2], $0x80, v3, vm0, $0xb8;
	[tilespmem:$0xC080] =	vst v63  }
0x4d: {  	_ = 	snop  }
0x4e: {  	[tilespmem:s23], [sflag:$0x1] =	stream.indirect_vreg.gather [hbm4b:s4+s2], $0x80, v3, vm0, $0xb8;
	[tilespmem:$0xC080] =	vst v63  }
0x4f: {  	_ = 	snop  }
0x50: {  	[tilespmem:s24], [sflag:$0x1] =	stream.indirect_vreg.gather [hbm4b:s5+s2], $0x80, v3, vm0, $0xb8;
	[tilespmem:$0xC080] =	vst v63  }
0x51: {  	v3 =	vld [tilespmem:$0x30];
	_ =	sdelay $0x4  }
0x52: {  	v63 =	vshrl.u32 v3, $0x3  }
0x53: {  	v4 =	vmul.u32 $0x30, v63  }
0x54: {  	v3 =	vand.u32 $0x7, v3  }
0x55: {  	v3 =	vor.u32 v3, v4  }
0x56: {  	v4 =	vperm.xlane v3, v0;
	_ =	sdelay $0x1  }
0x57: {  	v4 =	vadd.s32 v1, v4;
	_ =	sdelay $0x3  }
0x58: {  	v3 =	vperm.xlane v3, v2  }
0x59: {  	[tilespmem:s25], [sflag:$0x1] =	stream.indirect_vreg.gather [hbm4b:s3+s2], $0x80, v4, vm0, $0xb8;
	[tilespmem:$0xC080] =	vst v63  }
0x5a: {  	v3 =	vadd.s32 v1, v3  }
0x5b: {  	[tilespmem:s26], [sflag:$0x1] =	stream.indirect_vreg.gather [hbm4b:s4+s2], $0x80, v4, vm0, $0xb8;
	[tilespmem:$0xC080] =	vst v63  }
0x5c: {  	_ = 	snop  }
0x5d: {  	[tilespmem:s28], [sflag:$0x1] =	stream.indirect_vreg.gather [hbm4b:s5+s2], $0x80, v4, vm0, $0xb8;
	[tilespmem:$0xC080] =	vst v63  }
0x5e: {  	_ = 	snop  }
0x5f: {  	[tilespmem:s29], [sflag:$0x1] =	stream.indirect_vreg.gather [hbm4b:s3+s2], $0x80, v3, vm0, $0xb8;
	[tilespmem:$0xC080] =	vst v63  }
0x60: {  	_ = 	snop  }
0x61: {  	[tilespmem:s30], [sflag:$0x1] =	stream.indirect_vreg.gather [hbm4b:s4+s2], $0x80, v3, vm0, $0xb8;
	[tilespmem:$0xC080] =	vst v63  }
0x62: {  	_ = 	snop  }
0x63: {  	[tilespmem:s31], [sflag:$0x1] =	stream.indirect_vreg.gather [hbm4b:s5+s2], $0x80, v3, vm0, $0xb8;
	[tilespmem:$0xC080] =	vst v63  }
0x64: {  	_ =	swait.ge [sflag:s0], $0xC000  }
0x65: {  	p0 =	sne.s32 s6, $0x1;
	[sflag:s0] =	ssyncset.done $0x0  }
.Ltmp0:
0x66: {  	s1 =	rddreg [dreg:$0x4];
	[sflag:s0] =	ssyncadd.s32 $0xFFFF4000;
	(pc) =	sbr.rel @p0 .LBB2_1-.Ltmp0, $4  }
0x67: {  	[hbm4b:s1+s2] =	stream.linear.scatter [tilespmem:s8], [sflag:$0x2], $0xC000, $0x38;
	[tilespmem:$0xC080] =	vst v63  }
0x68: {  	_ =	swait.ge [sflag:s7], $0xC000  }
0x69: {  	[sflag:s7] =	ssyncset.done $0x0  }
0x6a: {  	s6 =	sadd.s32 $0xFFFFFFFF, s6;
	[sflag:s7] =	ssyncadd.s32 $0xFFFF4000  }
0x6b: {  	_ =	sfence.sel $0x180000  }
0x6c: {  	[bflag:$0x0] =	sbarrier.arrive $0xFFFF  }
0x6d: {  	_ =	strace $0x9000004A  }
0x6e: {  	s0 =	stileid.u32;
	[bflag:$0x2] =	sbarrier.arrive $0xFFFF  }
0x6f: {  	p0 =	sne.s32 s0, $0x0;
	s0 =	rddreg [dreg:$0x2]  }
0x70: {  	s0 =	sadd.s32 @!p0 $0x100000, s0  }
0x71: {  	[sflag:s0] =	ssyncadd.tile.s32 @!p0 $0x1;
	_ =	shalt  }
.Lfunc_end2:
_tile_overlayer_lowered:
.L_overlay_start_2:
0x72: {  	(tag) =	ssettag $0x2  }
0x73: {  	s0 =	rddreg [dreg:$0x0];
	s2 =	stileid.u32  }
0x74: {  	s1 =	rddreg [dreg:$0x1];
	p0 =	sne.s32 s2, $0x0  }
0x75: {  	s3 =	rddreg [dreg:$0x2];
	[bflag:$0x3] =	sbarrier.arrive $0xFFFF;
	s2 =	simm.s32 @!p0 $0x1C02  }
0x76: {  	[timem:s3], [sflag:s2] =	dma.local @!p0 [hbm:s0], s1  }
0x77: {  	s0 =	simm.s32 @!p0 $0x2  }
0x78: {  	_ =	swait.ge @!p0 [sflag:s0], s1  }
0x79: {  	s1 =	ssub.s32 @!p0 $0x0, s1;
	[sflag:s0] =	ssyncset.done @!p0 $0x0  }
0x7a: {  	[sflag:s0] =	ssyncadd.s32 @!p0 s1  }
0x7b: {  	[bflag:$0x3] =	sbarrier.arrive $0xFFFF  }
0x7c: {  	_ =	shalt  }

// kernel: kernel.7.cloned.1.call-start
scs
__scs_entry_jumppad:
0x0: {  	(pc) =	sbr.rel $0x88, $3  }
0x1: {  	(tag) =	ssettag $0x0;
	lr =	simm.s32 $0x1  }
0x2: {  	[smem:$0x3F98] =	sst lr;
	_ =	strace $0xD0000000  }
0x3: {  	_ = 	snop  }
0x4: {  	_ = 	snop  }
0x5: {  	_ = 	snop  }
0x6: {  	_ = 	snop  }
0x7: {  	_ = 	snop  }
__scs_overlays_trampoline_lowered:
0x8: {  	[smem:$0x3FA7] =	sst s0  }
0x9: {  	[smem:$0x3FA8] =	sst s1  }
0xa: {  	[smem:$0x3FA9] =	sst s2  }
0xb: {  	[smem:$0x3FAA] =	sst s3  }
0xc: {  	[smem:$0x3FAB] =	sst s4  }
0xd: {  	[smem:$0x3FAC] =	sst s5  }
0xe: {  	[smem:$0x3FAD] =	sst s6  }
0xf: {  	[smem:$0x3FAE] =	sst s7  }
0x10: {  	[smem:$0x3FAF] =	sst s8  }
0x11: {  	[smem:$0x3FB0] =	sst s9;
	s0 =	simm.s32 @!p0 $0x0  }
0x12: {  	s1 =	sld [smem:$0x3F96];
	s0 =	simm.s32 @p0 $0x1  }
0x13: {  	[smem:$0x3FB1] =	sst s0;
	s0 =	simm.s32 @!p1 $0x0  }
0x14: {  	s2 =	sld [smem:$0x3F95];
	s0 =	simm.s32 @p1 $0x1  }
0x15: {  	[smem:$0x3FB2] =	sst s0;
	s0 =	simm.s32 @!p2 $0x0  }
0x16: {  	s3 =	sld [smem:$0x3FDB];
	s0 =	simm.s32 @p2 $0x1  }
0x17: {  	s4 =	simm.s32 $0x1BF5;
	[smem:$0x3FB4] =	sst s0  }
0x18: {  	s0 =	sld [smem:$0x3F97];
	_ =	swait.ge [sflag:s4], $0x0  }
0x19: {  	s7 =	sld [smem:$0x3F98]  }
0x1a: {  	s8 =	sadd.s32 $0xFFFFE003, lr  }
0x1b: {  	s9 =	sadd.s32 $0xFFFFFEF7, lr;
	s5 =	simm.s32 $0xFFFFFFFF;
	p2 =	slt.u32 s8, $0xFFFFF086  }
0x1c: {  	p1 =	slt.u32 s9, $0xF7A;
	s5 =	simm.s32 @!p2 $0x0  }
0x1d: {  	s5 =	simm.s32 @p1 $0x1;
	p0 =	seq.s32 s7, s2  }
0x1e: {  	s7 =	smul.u32 @!p0 $0xF7A, s2;
	p2 =	seq.s32 @!p0 s5, $0x0  }
0x1f: {  	s9 =	smul.u32 $0xF7A, s1;
	s8 =	simm.s32 @!p0 $0x1BF5;
	p2 =	por !p2, p0  }
0x20: {  	[sflag:s8] =	ssyncset.s32 @!p0 $0xFFFFF086;
	s6 =	sadd.s32 @!p0 s3, s7;
	s7 =	simm.s32 @!p0 $0x108  }
0x21: {  	s3 =	sadd.s32 s3, s9;
	s6 =	sadd.s32 @!p0 $0x88, s6;
	s7 =	simm.s32 @p2 $0x1082  }
0x22: {  	[simem:s7], [sflag:s8] =	dma.local @!p0 [hbm:s6], $0xF7A  }
0x23: {  	s9 =	sor.u32 $0xD0000000, s2;
	s6 =	simm.s32 $0x108;
	_ =	swait.ge @!p0 [sflag:s8], $0x0  }
0x24: {  	s3 =	sadd.s32 $0x88, s3;
	s6 =	simm.s32 @!p1 $0x1082;
	[sflag:s4] =	ssyncset.s32 $0xFFFFF086  }
0x25: {  	[simem:s6], [sflag:s4] =	dma.local [hbm:s3], $0xF7A  }
0x26: {  	[smem:$0x3F98] =	sst s1;
	(tag) =	ssettag s2;
	_ =	strace s9  }
0x27: {  	s1 =	sld [smem:$0x3FA8]  }
0x28: {  	s2 =	sld [smem:$0x3FA9]  }
0x29: {  	s4 =	sld [smem:$0x3FAB]  }
0x2a: {  	p0 =	seq.s32 s5, $0x0;
	s5 =	sld [smem:$0x3FAC]  }
0x2b: {  	s6 =	sld [smem:$0x3FAD]  }
0x2c: {  	s7 =	sld [smem:$0x3FAE]  }
0x2d: {  	s3 =	simm.s32 $0x108;
	s8 =	sld [smem:$0x3FAF]  }
0x2e: {  	s3 =	simm.s32 @!p0 $0x1082;
	s9 =	sld [smem:$0x3FB0]  }
0x2f: {  	lr =	sadd.s32 s0, s3;
	s0 =	sld [smem:$0x3FA7]  }
0x30: {  	s3 =	sld [smem:$0x3FAA]  }
0x31: {  	[smem:$0x3FB3] =	sst s10  }
0x32: {  	s10 =	sld [smem:$0x3FB1];
	_ =	sdelay $0x3  }
0x33: {  	p0 =	seq.s32 s10, $0x1;
	s10 =	sld [smem:$0x3FB3];
	_ =	sdelay $0x3  }
0x34: {  	[smem:$0x3FB3] =	sst s10  }
0x35: {  	s10 =	sld [smem:$0x3FB2];
	_ =	sdelay $0x3  }
0x36: {  	p1 =	seq.s32 s10, $0x1;
	s10 =	sld [smem:$0x3FB3];
	_ =	sdelay $0x3  }
0x37: {  	[smem:$0x3FB3] =	sst s10  }
0x38: {  	s10 =	sld [smem:$0x3FB4]  }
0x39: {  	_ = 	snop;
	(pc) =	sbr.ind lr, $3  }
0x3a: {  	_ = 	snop  }
0x3b: {  	_ = 	snop  }
0x3c: {  	p2 =	seq.s32 s10, $0x1;
	s10 =	sld [smem:$0x3FB3]  }
0x3d: {  	_ =	shalt  }
0x3e: {  	_ =	shalt  }
0x3f: {  	_ =	shalt  }
0x40: {  	_ =	shalt  }
0x41: {  	_ =	shalt  }
0x42: {  	_ =	shalt  }
0x43: {  	_ =	shalt  }
0x44: {  	_ =	shalt  }
0x45: {  	_ =	shalt  }
0x46: {  	_ =	shalt  }
0x47: {  	_ =	shalt  }
0x48: {  	_ =	shalt  }
0x49: {  	_ =	shalt  }
0x4a: {  	_ =	shalt  }
0x4b: {  	_ =	shalt  }
0x4c: {  	_ =	shalt  }
0x4d: {  	_ =	shalt  }
0x4e: {  	_ =	shalt  }
0x4f: {  	_ =	shalt  }
0x50: {  	_ =	shalt  }
0x51: {  	_ =	shalt  }
0x52: {  	_ =	shalt  }
0x53: {  	_ =	shalt  }
0x54: {  	_ =	shalt  }
0x55: {  	_ =	shalt  }
0x56: {  	_ =	shalt  }
0x57: {  	_ =	shalt  }
0x58: {  	_ =	shalt  }
0x59: {  	_ =	shalt  }
0x5a: {  	_ =	shalt  }
0x5b: {  	_ =	shalt  }
0x5c: {  	_ =	shalt  }
0x5d: {  	_ =	shalt  }
0x5e: {  	_ =	shalt  }
0x5f: {  	_ =	shalt  }
0x60: {  	_ =	shalt  }
0x61: {  	_ =	shalt  }
0x62: {  	_ =	shalt  }
0x63: {  	_ =	shalt  }
0x64: {  	_ =	shalt  }
0x65: {  	_ =	shalt  }
0x66: {  	_ =	shalt  }
0x67: {  	_ =	shalt  }
0x68: {  	_ =	shalt  }
0x69: {  	_ =	shalt  }
0x6a: {  	_ =	shalt  }
0x6b: {  	_ =	shalt  }
0x6c: {  	_ =	shalt  }
0x6d: {  	_ =	shalt  }
0x6e: {  	_ =	shalt  }
0x6f: {  	_ =	shalt  }
0x70: {  	_ =	shalt  }
0x71: {  	_ =	shalt  }
0x72: {  	_ =	shalt  }
0x73: {  	_ =	shalt  }
0x74: {  	_ =	shalt  }
0x75: {  	_ =	shalt  }
0x76: {  	_ =	shalt  }
0x77: {  	_ =	shalt  }
0x78: {  	_ =	shalt  }
0x79: {  	_ =	shalt  }
0x7a: {  	_ =	shalt  }
0x7b: {  	_ =	shalt  }
0x7c: {  	_ =	shalt  }
0x7d: {  	_ =	shalt  }
0x7e: {  	_ =	shalt  }
0x7f: {  	_ =	shalt  }
0x80: {  	_ =	shalt  }
0x81: {  	_ =	shalt  }
0x82: {  	_ =	shalt  }
0x83: {  	_ =	shalt  }
0x84: {  	_ =	shalt  }
0x85: {  	_ =	shalt  }
0x86: {  	_ =	shalt  }
0x87: {  	_ =	shalt  }
.Lfunc_end0:
.L_simem_size_0:
called_computation_lowered:
.L_overlay_start_0:
0x88: {  	s2 =	sld [smem:$0x3FD9]  }
0x89: {  	s3 =	sld [smem:$0x3FFE];
	_ =	sdelay $0x1  }
0x8a: {  	s1 =	srdreg.scid  }
0x8b: {  	s0 =	sand.u32 $0x1, s1  }
0x8c: {  	s17 =	sshll.u32 s0, $0xA;
	s2 =	sadd.s32 s3, s2  }
0x8d: {  	s2 =	sadd.s32 s2, s17  }
0x8e: {  	[smem:$0x3FBF] =	sst s2  }
0x8f: {  	_ = 	snop  }
0x90: {  	s2 =	sld [smem:$0x3FC9];
	(tm) =	ssettm $0x1  }
0x91: {  	s18 =	sld [smem:$0x3FFB];
	_ =	sdelay $0x3  }
0x92: {  	_ =	strace s18  }
0x93: {  	s3 =	sld [smem:$0x3FFC];
	_ =	sdelay $0x3  }
0x94: {  	_ =	strace s3  }
0x95: {  	s3 =	sld [smem:$0x3FFD];
	_ =	sdelay $0x3  }
0x96: {  	_ =	strace s3  }
0x97: {  	_ =	strace $0x8FFFFFFF  }
0x98: {  	s19 =	sld [smem:$0x3FDB];
	_ =	sdelay $0x1  }
0x99: {  	s4 =	simm.s32 $_scs_section_size  }
0x9a: {  	s5 =	simm.s32 $_size__tile_overlayer_lowered;
	s6 =	simm.s32 $_tile_overlayer_lowered  }
0x9b: {  	s22 =	simm.s32 $0x1BFF;
	s21 =	sshll.u32 s6, $0x1;
	s3 =	sadd.s32 s4, s19  }
0x9c: {  	s7 =	simm.s32 $0x0;
	s20 =	sshll.u32 s5, $0x1;
	s5 =	sadd.s32 s21, s3  }
0x9d: {  	[timem:s7], [sflag:s22] =	dma.local [hbm:s5], s20  }
0x9e: {  	_ =	swait.ge [sflag:s22], s20  }
0x9f: {  	s4 =	ssub.s32 $0x0, s20;
	[sflag:s22] =	ssyncset.done $0x0  }
0xa0: {  	[sflag:s22] =	ssyncadd.s32 s4;
	_ =	sdelay $0x1  }
0xa1: {  	s23 =	simm.s32 $0x1B8B  }
0xa2: {  	_ =	swait.ge [sflag:s23], $0x1  }
0xa3: {  	[sflag:s23] =	ssyncset.done $0x0  }
0xa4: {  	s25 =	simm.s32 $0x1B8E;
	s24 =	sld [smem:$0x3FFE];
	[sflag:s23] =	ssyncadd.s32 $0xFFFFFFFF  }
0xa5: {  	s26 =	simm.s32 $execute0_lowered;
	[smem:$0x3FD2] =	sst s25  }
0xa6: {  	s5 =	sshll.u32 s26, $0x1;
	_ =	strace $0x80000046;
	[dreg:$0x1] =	wrdreg $0xFFFFFFFF  }
0xa7: {  	s28 =	simm.s32 $_size_execute0_lowered;
	s3 =	sadd.s32 s3, s5;
	[dreg:$0x0] =	wrdreg $0x0  }
0xa8: {  	s5 =	sshll.u32 s28, $0x1;
	[dreg:$0x2] =	wrdreg s3  }
0xa9: {  	[dreg:$0x3] =	wrdreg s5  }
0xaa: {  	[dreg:$0x4] =	wrdreg $0xC0  }
0xab: {  	_ =	task [dreg:s7], $0x5FFFF  }
0xac: {  	[dreg:$0x1] =	wrdreg $0xFFFFFFFF  }
0xad: {  	[dreg:$0x0] =	wrdreg $0x60  }
0xae: {  	[dreg:$0x2] =	wrdreg s2  }
0xaf: {  	[dreg:$0x3] =	wrdreg s24  }
0xb0: {  	[dreg:$0x4] =	wrdreg $0x9  }
0xb1: {  	_ =	task.clear_ibuf [dreg:s7], $0x5FFFF;
	_ =	strace $0x90000046  }
0xb2: {  	s29 =	simm.s32 $0x9;
	_ =	strace $0x80000048  }
0xb3: {  	_ =	swait.ge [sflag:s29], $0x1  }
0xb4: {  	[sflag:s29] =	ssyncadd.s32 $0xFFFFFFFF  }
0xb5: {  	_ =	strace $0x90000048  }
0xb6: {  	_ =	sfence  }
0xb7: {  	s30 =	sld [smem:$0x0];
	_ =	sdelay $0x2  }
0xb8: {  	s31 =	sshll.u32 s1, $0xD;
	s1 =	sshrl.u32 s1, $0x2  }
0xb9: {  	s3 =	sand.u32 $0x4000, s31;
	s1 =	sadd.s32 s1, s30  }
0xba: {  	s0 =	sor.u32 s3, s0;
	s1 =	sshll.u32 s1, $0x11  }
0xbb: {  	s0 =	sor.u32 s1, s0  }
0xbc: {  	s0 =	sadd.s32 $0x8F2B, s0  }
0xbd: {  	[sflag:s0] =	ssyncadd.remote.s32 $0x1  }
0xbe: {  	_ =	sfence.sel $0xFFFF  }
0xbf: {  	[dreg:$0x0] =	wrdreg $0xFFFFFFFF;
	(pc) =	sbr.abs _section_cstart, $3  }
0xc0: {  	[dreg:$0x1] =	wrdreg $0xFFFFFFFF  }
0xc1: {  	_ =	task.clear_ibuf [dreg:s7], $0x2FFFF;
	_ =	strace $0x9FFFFFFF  }
0xc2: {  	(tm) =	ssettm $0x7FFFFFFF  }
0xc3: {  	_ =	shalt  }
tec
execute0_lowered:
.L_overlay_start_1:
0x0: {  	(tag) =	ssettag $0x1  }
0x1: {  	s1 =	srdreg.scid;
	s3 =	rddreg [dreg:$0x0]  }
0x2: {  	s0 =	stileid.u32;
	s5 =	rddreg [dreg:$0x1];
	s2 =	simm.s32 $0x0  }
0x3: {  	s23 =	simm.s32 $0x80;
	s24 =	simm.s32 $0x100;
	s25 =	simm.s32 $0xA00  }
0x4: {  	s8 =	simm.s32 $0x2;
	s26 =	simm.s32 $0x1200;
	s9 =	simm.s32 $0x180  }
0x5: {  	s10 =	simm.s32 $0x1;
	s12 =	simm.s32 $0x2200;
	s13 =	simm.s32 $0x2A00  }
0x6: {  	s14 =	simm.s32 $0x3200;
	s15 =	simm.s32 $0x3A00;
	s16 =	simm.s32 $0x4200  }
0x7: {  	s17 =	simm.s32 $0x4A00;
	s18 =	simm.s32 $0x5200;
	s19 =	simm.s32 $0x5A00  }
0x8: {  	s28 =	simm.s32 $0x9A00;
	[smem:$0x7FF] =	sst s2;
	s7 =	sadd.s32 $0x2800, s5  }
0x9: {  	s29 =	simm.s32 $0xA200;
	_ =	strace $0x80000047;
	[dreg:$0x3] =	wrdreg s7  }
0xa: {  	s30 =	simm.s32 $0xAA00;
	s31 =	simm.s32 $0xB200;
	[dreg:$0x8] =	wrdreg s23  }
0xb: {  	s1 =	sand.u32 $0x1, s1;
	s4 =	sshll.u32 s0, $0x4;
	[dreg:$0x9] =	wrdreg s24  }
0xc: {  	s6 =	sshll.u32 s1, $0x3;
	s1 =	ssub.s32 $0x2, s1;
	[dreg:$0xa] =	wrdreg s25  }
0xd: {  	s7 =	simm.s32 $0x200;
	[dreg:$0xb] =	wrdreg s26;
	s23 =	simm.s32 $0x7A00  }
0xe: {  	s24 =	simm.s32 $0x8200;
	s25 =	simm.s32 $0x8A00;
	s4 =	sor.u32 s6, s4  }
0xf: {  	s22 =	sshrl.u32 s1, $0x1;
	s6 =	smul.u32 $0x300, s4;
	s4 =	sadd.s32 s4, s5  }
0x10: {  	s26 =	simm.s32 $0x9200;
	s1 =	ssub.s32 s1, s22;
	s20 =	sadd.s32 $0x2400, s4  }
0x11: {  	s22 =	simm.s32 $0x7200;
	s21 =	sadd.s32 $0x2600, s4;
	[dreg:$0x5] =	wrdreg s20  }
0x12: {  	s4 =	sadd.s32 $0x5CE00, s4;
	s3 =	sadd.s32 s3, s6;
	[dreg:$0x6] =	wrdreg s21  }
0x13: {  	v2 =	vlaneseq.u32;
	[dreg:$0x7] =	wrdreg s4;
	s4 =	sadd.s32 $0x2F00, s5;
	s6 =	smax.u32 s1, $0x1  }
0x14: {  	vm0 =	vmmov $0xffff;
	v1 =	vshrl.u32 v2, $0x3;
	s20 =	simm.s32 $0x6200;
	s21 =	simm.s32 $0x6A00;
	s1 =	simm.s32 $0xBA00  }
0x15: {  	v0 =	vand.u32 $0x7, v2;
	v2 =	vor.u32 $0x8, v2;
	v1 =	vmul.u32 $0x8, v1;
	[dreg:$0x4] =	wrdreg s3;
	s3 =	sadd.s32 $0x2E00, s5;
	s5 =	sadd.s32 $0x3000, s5  }
.LBB2_1:
0x16: {  	s0 =	rddreg [dreg:$0x4]  }
0x17: {  	[tilespmem:s7], [sflag:$0x1] =	stream.linear.gather [hbm4b:s0+s2], $0xC000, $0x38;
	[tilespmem:$0xC200] =	vst v63  }
0x18: {  	s11 =	rddreg [dreg:$0x5]  }
0x19: {  	[tilespmem:s2], [sflag:$0x2] =	stream.linear.gather [hbm4b:s11+s2], $0x40, $0x38;
	[tilespmem:$0xC200] =	vst v63  }
0x1a: {  	_ =	swait.ge [sflag:s8], $0x40  }
0x1b: {  	s0 =	rddreg [dreg:$0x6];
	[sflag:s8] =	ssyncset.done $0x0  }
0x1c: {  	s11 =	rddreg [dreg:$0x8];
	[sflag:s8] =	ssyncadd.s32 $0xFFFFFFC0  }
0x1d: {  	[tilespmem:s11], [sflag:$0x2] =	stream.linear.gather [hbm4b:s0+s2], $0x40, $0x38;
	[tilespmem:$0xC200] =	vst v63  }
0x1e: {  	_ =	swait.ge [sflag:s8], $0x40  }
0x1f: {  	[sflag:s8] =	ssyncset.done $0x0  }
0x20: {  	s11 =	rddreg [dreg:$0x3];
	[sflag:s8] =	ssyncadd.s32 $0xFFFFFFC0  }
0x21: {  	[tilespmem:s9], [sflag:$0x2] =	stream.linear.gather [hbm4b:s11+s2], $0x80, $0x38;
	[tilespmem:$0xC200] =	vst v63  }
0x22: {  	_ =	swait.ge [sflag:s8], $0x80  }
0x23: {  	[sflag:s8] =	ssyncset.done $0x0  }
0x24: {  	[sflag:s8] =	ssyncadd.s32 $0xFFFFFF80  }
0x25: {  	v3 =	vld [tilespmem:$0x0];
	_ =	sdelay $0x5  }
0x26: {  	v4 =	vld [tilespmem:$0x80]  }
0x27: {  	v5 =	vld [tilespmem:$0x10]  }
0x28: {  	v3 =	vld.idx.msk [tilespmem:v3+s9+$0x0], $0xffff;
	_ =	sdelay $0x4  }
0x29: {  	v57 =	vld [tilespmem:$0x90];
	v3 =	vadd.s32 v4, v3  }
0x2a: {  	[tilespmem:$0x100] =	vst v3;
	v3 =	vld [tilespmem:$0x20]  }
0x2b: {  	v5 =	vld.idx.msk [tilespmem:v5+s9+$0x0], $0xffff;
	_ =	sdelay $0x4  }
0x2c: {  	v58 =	vld [tilespmem:$0xA0];
	v4 =	vadd.s32 v57, v5  }
0x2d: {  	v59 =	vld [tilespmem:$0x30];
	[tilespmem:$0x110] =	vst v4  }
0x2e: {  	v3 =	vld.idx.msk [tilespmem:v3+s9+$0x0], $0xffff;
	_ =	sdelay $0x4  }
0x2f: {  	v3 =	vadd.s32 v58, v3  }
0x30: {  	[tilespmem:$0x120] =	vst v3;
	v3 =	vld [tilespmem:$0xB0]  }
0x31: {  	v4 =	vld.idx.msk [tilespmem:v59+s9+$0x0], $0xffff;
	_ =	sdelay $0x4  }
0x32: {  	s0 =	rddreg [dreg:$0x7];
	v3 =	vadd.s32 v3, v4  }
0x33: {  	s11 =	rddreg [dreg:$0x9];
	[tilespmem:$0x130] =	vst v3  }
0x34: {  	[hbm4b:s0+s2] =	stream.linear.scatter [tilespmem:s11], [sflag:$0x2], $0x40, $0x38;
	[tilespmem:$0xC200] =	vst v63  }
0x35: {  	_ =	swait.ge [sflag:s8], $0x40  }
0x36: {  	[sflag:s8] =	ssyncset.done $0x0  }
0x37: {  	[sflag:s8] =	ssyncadd.s32 $0xFFFFFFC0  }
0x38: {  	_ =	swait.ge [sflag:s10], $0xC000  }
0x39: {  	[sflag:s10] =	ssyncset.done $0x0  }
0x3a: {  	[sflag:s10] =	ssyncadd.s32 $0xFFFF4000  }
0x3b: {  	v3 =	vld [tilespmem:$0x100];
	_ =	sdelay $0x4  }
0x3c: {  	v60 =	vshrl.u32 v3, $0x3  }
0x3d: {  	v4 =	vmul.u32 $0x30, v60  }
0x3e: {  	v3 =	vand.u32 $0x7, v3  }
0x3f: {  	v3 =	vor.u32 v3, v4  }
0x40: {  	v4 =	vperm.xlane v3, v0;
	_ =	sdelay $0x1  }
0x41: {  	v4 =	vadd.s32 v1, v4;
	_ =	sdelay $0x3  }
0x42: {  	v3 =	vperm.xlane v3, v2  }
0x43: {  	[hbm4b:s3+s2] =	stream.indirect_vreg.scatter [tilespmem:s7], [sflag:$0x1], $0x80, v4, vm0, $0xb8;
	[tilespmem:$0xC200] =	vst v63  }
0x44: {  	s0 =	rddreg [dreg:$0xa];
	v3 =	vadd.s32 v1, v3  }
0x45: {  	[hbm4b:s4+s2] =	stream.indirect_vreg.scatter [tilespmem:s0], [sflag:$0x1], $0x80, v4, vm0, $0xb8;
	[tilespmem:$0xC200] =	vst v63  }
0x46: {  	s11 =	rddreg [dreg:$0xb]  }
0x47: {  	[hbm4b:s5+s2] =	stream.indirect_vreg.scatter [tilespmem:s11], [sflag:$0x1], $0x80, v4, vm0, $0xb8;
	[tilespmem:$0xC200] =	vst v63  }
0x48: {  	s11 =	simm.s32 $0x1A00  }
0x49: {  	[hbm4b:s3+s2] =	stream.indirect_vreg.scatter [tilespmem:s11], [sflag:$0x1], $0x80, v3, vm0, $0xb8;
	[tilespmem:$0xC200] =	vst v63  }
0x4a: {  	_ = 	snop  }
0x4b: {  	[hbm4b:s4+s2] =	stream.indirect_vreg.scatter [tilespmem:s12], [sflag:$0x1], $0x80, v3, vm0, $0xb8;
	[tilespmem:$0xC200] =	vst v63  }
0x4c: {  	_ = 	snop  }
0x4d: {  	[hbm4b:s5+s2] =	stream.indirect_vreg.scatter [tilespmem:s13], [sflag:$0x1], $0x80, v3, vm0, $0xb8;
	[tilespmem:$0xC200] =	vst v63  }
0x4e: {  	v3 =	vld [tilespmem:$0x110];
	_ =	sdelay $0x4  }
0x4f: {  	v61 =	vshrl.u32 v3, $0x3  }
0x50: {  	v4 =	vmul.u32 $0x30, v61  }
0x51: {  	v3 =	vand.u32 $0x7, v3  }
0x52: {  	v3 =	vor.u32 v3, v4  }
0x53: {  	v4 =	vperm.xlane v3, v0;
	_ =	sdelay $0x1  }
0x54: {  	v4 =	vadd.s32 v1, v4;
	_ =	sdelay $0x3  }
0x55: {  	v3 =	vperm.xlane v3, v2  }
0x56: {  	[hbm4b:s3+s2] =	stream.indirect_vreg.scatter [tilespmem:s14], [sflag:$0x1], $0x80, v4, vm0, $0xb8;
	[tilespmem:$0xC200] =	vst v63  }
0x57: {  	v3 =	vadd.s32 v1, v3  }
0x58: {  	[hbm4b:s4+s2] =	stream.indirect_vreg.scatter [tilespmem:s15], [sflag:$0x1], $0x80, v4, vm0, $0xb8;
	[tilespmem:$0xC200] =	vst v63  }
0x59: {  	_ = 	snop  }
0x5a: {  	[hbm4b:s5+s2] =	stream.indirect_vreg.scatter [tilespmem:s16], [sflag:$0x1], $0x80, v4, vm0, $0xb8;
	[tilespmem:$0xC200] =	vst v63  }
0x5b: {  	_ = 	snop  }
0x5c: {  	[hbm4b:s3+s2] =	stream.indirect_vreg.scatter [tilespmem:s17], [sflag:$0x1], $0x80, v3, vm0, $0xb8;
	[tilespmem:$0xC200] =	vst v63  }
0x5d: {  	_ = 	snop  }
0x5e: {  	[hbm4b:s4+s2] =	stream.indirect_vreg.scatter [tilespmem:s18], [sflag:$0x1], $0x80, v3, vm0, $0xb8;
	[tilespmem:$0xC200] =	vst v63  }
0x5f: {  	_ = 	snop  }
0x60: {  	[hbm4b:s5+s2] =	stream.indirect_vreg.scatter [tilespmem:s19], [sflag:$0x1], $0x80, v3, vm0, $0xb8;
	[tilespmem:$0xC200] =	vst v63  }
0x61: {  	v3 =	vld [tilespmem:$0x120];
	_ =	sdelay $0x4  }
0x62: {  	v62 =	vshrl.u32 v3, $0x3  }
0x63: {  	v4 =	vmul.u32 $0x30, v62  }
0x64: {  	v3 =	vand.u32 $0x7, v3  }
0x65: {  	v3 =	vor.u32 v3, v4  }
0x66: {  	v4 =	vperm.xlane v3, v0;
	_ =	sdelay $0x1  }
0x67: {  	v4 =	vadd.s32 v1, v4;
	_ =	sdelay $0x3  }
0x68: {  	v3 =	vperm.xlane v3, v2  }
0x69: {  	[hbm4b:s3+s2] =	stream.indirect_vreg.scatter [tilespmem:s20], [sflag:$0x1], $0x80, v4, vm0, $0xb8;
	[tilespmem:$0xC200] =	vst v63  }
0x6a: {  	v3 =	vadd.s32 v1, v3  }
0x6b: {  	[hbm4b:s4+s2] =	stream.indirect_vreg.scatter [tilespmem:s21], [sflag:$0x1], $0x80, v4, vm0, $0xb8;
	[tilespmem:$0xC200] =	vst v63  }
0x6c: {  	_ = 	snop  }
0x6d: {  	[hbm4b:s5+s2] =	stream.indirect_vreg.scatter [tilespmem:s22], [sflag:$0x1], $0x80, v4, vm0, $0xb8;
	[tilespmem:$0xC200] =	vst v63  }
0x6e: {  	_ = 	snop  }
0x6f: {  	[hbm4b:s3+s2] =	stream.indirect_vreg.scatter [tilespmem:s23], [sflag:$0x1], $0x80, v3, vm0, $0xb8;
	[tilespmem:$0xC200] =	vst v63  }
0x70: {  	_ = 	snop  }
0x71: {  	[hbm4b:s4+s2] =	stream.indirect_vreg.scatter [tilespmem:s24], [sflag:$0x1], $0x80, v3, vm0, $0xb8;
	[tilespmem:$0xC200] =	vst v63  }
0x72: {  	_ = 	snop  }
0x73: {  	[hbm4b:s5+s2] =	stream.indirect_vreg.scatter [tilespmem:s25], [sflag:$0x1], $0x80, v3, vm0, $0xb8;
	[tilespmem:$0xC200] =	vst v63  }
0x74: {  	v3 =	vld [tilespmem:$0x130];
	_ =	sdelay $0x4  }
0x75: {  	v63 =	vshrl.u32 v3, $0x3  }
0x76: {  	v4 =	vmul.u32 $0x30, v63  }
0x77: {  	v3 =	vand.u32 $0x7, v3  }
0x78: {  	v3 =	vor.u32 v3, v4  }
0x79: {  	v4 =	vperm.xlane v3, v0;
	_ =	sdelay $0x1  }
0x7a: {  	v4 =	vadd.s32 v1, v4;
	_ =	sdelay $0x3  }
0x7b: {  	v3 =	vperm.xlane v3, v2  }
0x7c: {  	[hbm4b:s3+s2] =	stream.indirect_vreg.scatter [tilespmem:s26], [sflag:$0x1], $0x80, v4, vm0, $0xb8;
	[tilespmem:$0xC200] =	vst v63  }
0x7d: {  	v3 =	vadd.s32 v1, v3  }
0x7e: {  	[hbm4b:s4+s2] =	stream.indirect_vreg.scatter [tilespmem:s28], [sflag:$0x1], $0x80, v4, vm0, $0xb8;
	[tilespmem:$0xC200] =	vst v63  }
0x7f: {  	_ = 	snop  }
0x80: {  	[hbm4b:s5+s2] =	stream.indirect_vreg.scatter [tilespmem:s29], [sflag:$0x1], $0x80, v4, vm0, $0xb8;
	[tilespmem:$0xC200] =	vst v63  }
0x81: {  	_ = 	snop  }
0x82: {  	[hbm4b:s3+s2] =	stream.indirect_vreg.scatter [tilespmem:s30], [sflag:$0x1], $0x80, v3, vm0, $0xb8;
	[tilespmem:$0xC200] =	vst v63  }
0x83: {  	p0 =	sne.s32 s6, $0x1  }
0x84: {  	[hbm4b:s4+s2] =	stream.indirect_vreg.scatter [tilespmem:s31], [sflag:$0x1], $0x80, v3, vm0, $0xb8;
	[tilespmem:$0xC200] =	vst v63  }
.Ltmp0:
0x85: {  	_ = 	snop;
	(pc) =	sbr.rel @p0 .LBB2_1-.Ltmp0, $4  }
0x86: {  	[hbm4b:s5+s2] =	stream.indirect_vreg.scatter [tilespmem:s1], [sflag:$0x1], $0x80, v3, vm0, $0xb8;
	[tilespmem:$0xC200] =	vst v63  }
0x87: {  	_ =	swait.ge [sflag:s10], $0xC000  }
0x88: {  	[sflag:s10] =	ssyncset.done $0x0  }
0x89: {  	s6 =	sadd.s32 $0xFFFFFFFF, s6;
	[sflag:s10] =	ssyncadd.s32 $0xFFFF4000  }
0x8a: {  	_ =	sfence.sel $0x180000  }
0x8b: {  	[bflag:$0x0] =	sbarrier.arrive $0xFFFF  }
0x8c: {  	_ =	strace $0x90000047  }
0x8d: {  	s0 =	stileid.u32;
	[bflag:$0x2] =	sbarrier.arrive $0xFFFF  }
0x8e: {  	p0 =	sne.s32 s0, $0x0;
	s0 =	rddreg [dreg:$0x2]  }
0x8f: {  	s0 =	sadd.s32 @!p0 $0x100000, s0  }
0x90: {  	[sflag:s0] =	ssyncadd.tile.s32 @!p0 $0x1;
	_ =	shalt  }
.Lfunc_end2:
_tile_overlayer_lowered:
.L_overlay_start_2:
0x91: {  	(tag) =	ssettag $0x2  }
0x92: {  	s0 =	rddreg [dreg:$0x0];
	s2 =	stileid.u32  }
0x93: {  	s1 =	rddreg [dreg:$0x1];
	p0 =	sne.s32 s2, $0x0  }
0x94: {  	s3 =	rddreg [dreg:$0x2];
	[bflag:$0x3] =	sbarrier.arrive $0xFFFF;
	s2 =	simm.s32 @!p0 $0x1C02  }
0x95: {  	[timem:s3], [sflag:s2] =	dma.local @!p0 [hbm:s0], s1  }
0x96: {  	s0 =	simm.s32 @!p0 $0x2  }
0x97: {  	_ =	swait.ge @!p0 [sflag:s0], s1  }
0x98: {  	s1 =	ssub.s32 @!p0 $0x0, s1;
	[sflag:s0] =	ssyncset.done @!p0 $0x0  }
0x99: {  	[sflag:s0] =	ssyncadd.s32 @!p0 s1  }
0x9a: {  	[bflag:$0x3] =	sbarrier.arrive $0xFFFF  }
0x9b: {  	_ =	shalt  }

</sc_bundles>
